<compile_context>
chip_gen: v7x
topology: tpu7x:2x2x1
jax: 0.10.2.dev20260603
libtpu: 0.0.44.dev20260713+nightly
codegen_flags: <defaults>
</compile_context>

<pallas_src>
import functools

import jax
import jax.numpy as jnp
from jax import lax
from jax.experimental import pallas as pl
from jax.experimental.pallas import tpu as pltpu, tpu_sc as plsc


def _make_gather(n_out: int, d: int):
    info = plsc.get_sparse_core_info()
    nc, ns, nl = info.num_cores, info.num_subcores, info.num_lanes
    nw = nc * ns
    assert n_out % nw == 0
    per_w = n_out // nw
    chunk = 16
    nbuf = 3
    n_chunks = per_w // chunk
    mesh = plsc.VectorSubcoreMesh(core_axis_name="c", subcore_axis_name="s")

    @functools.partial(
        pl.kernel,
        mesh=mesh,
        out_type=jax.ShapeDtypeStruct((n_out, 2 * d), jnp.float32),
        scratch_types=[
            pltpu.VMEM((2 * per_w,), jnp.int32),
            pltpu.VMEM((2 * per_w,), jnp.int32),
            pltpu.VMEM((nbuf, 2 * chunk, d), jnp.float32),
            pltpu.SemaphoreType.DMA,
            pltpu.SemaphoreType.DMA,
        ],
    )
    def gather_k(table_hbm, idx_hbm, out_hbm,
                 idx_v, idx_g, rows_v, gsem, wsem):
        wid = lax.axis_index("s") * nc + lax.axis_index("c")
        base = wid * per_w
        pltpu.sync_copy(idx_hbm.at[pl.ds(2 * base, 2 * per_w)], idx_v)

        lanes = lax.iota(jnp.int32, nl)
        g_e = (2 * lanes) % nl
        g_o = (2 * lanes + 1) % nl
        lo = lanes < (nl // 2)
        for j in range(2 * per_w // (2 * nl)):
            a = idx_v[pl.ds(2 * nl * j, nl)]
            b = idx_v[pl.ds(2 * nl * j + nl, nl)]
            idx_g[pl.ds(2 * nl * j, nl)] = jnp.where(
                lo,
                a.at[g_e].get(mode="promise_in_bounds"),
                b.at[g_e].get(mode="promise_in_bounds"))
            idx_g[pl.ds(2 * nl * j + nl, nl)] = jnp.where(
                lo,
                a.at[g_o].get(mode="promise_in_bounds"),
                b.at[g_o].get(mode="promise_in_bounds"))

        def start_gather(j):
            return pltpu.async_copy(
                table_hbm.at[idx_g.at[pl.ds(j * 2 * chunk, 2 * chunk)]],
                rows_v.at[j % nbuf], gsem)

        def start_writes(j):
            b = j % nbuf
            row = base + j * chunk
            we = pltpu.async_copy(
                rows_v.at[b, pl.ds(0, chunk)],
                out_hbm.at[pl.ds(row, chunk), pl.ds(0, d)], wsem)
            wo = pltpu.async_copy(
                rows_v.at[b, pl.ds(chunk, chunk)],
                out_hbm.at[pl.ds(row, chunk), pl.ds(d, d)], wsem)
            return we, wo

        gathers = [None] * n_chunks
        writes = [None] * n_chunks
        for j in range(min(nbuf, n_chunks)):
            gathers[j] = start_gather(j)
        for i in range(n_chunks):
            gathers[i].wait()
            writes[i] = start_writes(i)
            nxt = i + nbuf
            if nxt < n_chunks:
                for w in writes[i]:
                    w.wait()
                gathers[nxt] = start_gather(nxt)
        for i in range(max(0, n_chunks - nbuf), n_chunks):
            for w in writes[i]:
                w.wait()

    return gather_k


def kernel(hidden, word_absolute_position):
    B, S, D = hidden.shape
    table = hidden.reshape(B * S, D)
    idx = word_absolute_position.astype(jnp.int32)
    n_idx = idx.shape[0]
    return _make_gather(n_idx // 2, D)(table, idx)

# --- scband reference (transcript-rebuilt; emitter-appended) ---
"""Pipeline reference for scband-seq-to-node-71330816852463 (READ-ONLY COPY).

The authoritative reference and input builder live on the scoring server;
editing this copy changes nothing except your own understanding.
"""

import jax, jax.numpy as jnp
import numpy as np


def setup_inputs(seed: int = 0) -> dict:
    key = jax.random.key(seed)
    k1, k2 = jax.random.split(key)
    hidden = jax.random.normal(k1, (4, 4096, 1024), dtype=jnp.float32)
    word_absolute_position = jax.random.randint(k2, (8192,), 0, 16384, dtype=jnp.int64 if jax.config.jax_enable_x64 else jnp.int32)
    return {"hidden": hidden, "word_absolute_position": word_absolute_position}


def reference(hidden, word_absolute_position):
    # mode == 'cat'
    B, S, D = hidden.shape
    reshape_hidden = hidden.reshape(B * S, D)
    token_hidden = jnp.take(reshape_hidden, word_absolute_position, axis=0)
    token_hidden = token_hidden.reshape(-1, 2 * D)
    return token_hidden

if __name__ == "__main__":
    import jax
    _d = setup_inputs()
    print(jax.jit(kernel)(*tuple(_d.values())))

</pallas_src>

<mosaic_0001>
#map = affine_map<(d0, d1) -> (0, 0)>
#map1 = affine_map<(d0, d1) -> (0)>
module attributes {stable_mosaic.version = 14 : i64} {
  func.func @gather_k(%arg0: i32, %arg1: i32, %arg2: memref<16384x1024xf32, #tpu.memory_space<hbm>>, %arg3: memref<8192xi32, #tpu.memory_space<hbm>>, %arg4: memref<4096x2048xf32, #tpu.memory_space<hbm>>, %arg5: memref<256xi32, #tpu.memory_space<vmem>>, %arg6: memref<256xi32, #tpu.memory_space<vmem>>, %arg7: memref<3x32x1024xf32, #tpu.memory_space<vmem>>, %arg8: memref<!tpu.dma_semaphore, #tpu.memory_space<semaphore_mem>>, %arg9: memref<!tpu.dma_semaphore, #tpu.memory_space<semaphore_mem>>) attributes {dimension_semantics = [#tpu.dimension_semantics<core_parallel>, #tpu.dimension_semantics<subcore_parallel>], iteration_bounds = array<i64: 2, 16>, scalar_prefetch = 0 : i64, scratch_operands = 5 : i64, tpu.core_type = #tpu.core_type<sc_vector_subcore>, window_params = [{transform_indices = #map}, {transform_indices = #map1}, {transform_indices = #map}]} {
    %mul3A = arith.constant 2 : i32
    %mul3A_0 = arith.muli %arg1, %mul3A : i32
    %add3A = arith.addi %mul3A_0, %arg0 : i32
    %mul3A_1 = arith.constant 128 : i32
    %mul3A_2 = arith.muli %add3A, %mul3A_1 : i32
    %mul3A_3 = arith.constant 2 : i32
    %mul3A_4 = arith.muli %mul3A_3, %mul3A_2 : i32
    "tpu.region"() ({
      %run_scoped3A = tpu.sem_alloc : memref<!tpu.dma_semaphore, #tpu.memory_space<semaphore_mem>>
      %dma_start3A_1088 = tpu.memref_slice %arg3[%mul3A_4] : memref<8192xi32, #tpu.memory_space<hbm>> -> memref<256xi32, #tpu.memory_space<hbm>>
      %dma_start3A_1089 = tpu.memref_slice %arg3[%mul3A_4] : memref<8192xi32, #tpu.memory_space<hbm>> -> memref<256xi32, #tpu.memory_space<hbm>>
      tpu.enqueue_dma source(%dma_start3A_1089 : memref<256xi32, #tpu.memory_space<hbm>>) target(%arg5 : memref<256xi32, #tpu.memory_space<vmem>>) target_semaphore(%run_scoped3A : memref<!tpu.dma_semaphore, #tpu.memory_space<semaphore_mem>>)
      %dma_wait3A_1090 = tpu.memref_slice %arg3[%mul3A_4] : memref<8192xi32, #tpu.memory_space<hbm>> -> memref<256xi32, #tpu.memory_space<hbm>>
      %dma_wait3A_1091 = tpu.memref_slice %arg3[%mul3A_4] : memref<8192xi32, #tpu.memory_space<hbm>> -> memref<256xi32, #tpu.memory_space<hbm>>
      tpu.wait_dma2 semaphore(%run_scoped3A : memref<!tpu.dma_semaphore, #tpu.memory_space<semaphore_mem>>) src(%dma_wait3A_1091 : memref<256xi32, #tpu.memory_space<hbm>>) dst(%arg5 : memref<256xi32, #tpu.memory_space<vmem>>)
      tpu.yield
    }) : () -> ()
    %iota3A = tpu.iota {dimensions = array<i32: 0>} : vector<16xi32>
    %mul3A_5 = arith.constant 2 : i32
    %mul3A_6 = vector.broadcast %mul3A_5 : i32 to vector<16xi32>
    %mul3A_7 = arith.muli %mul3A_6, %iota3A : vector<16xi32>
    %jit3A = arith.constant 16 : i32
    %eq3A = arith.constant 0 : i32
    %eq3A_8 = arith.cmpi eq, %jit3A, %eq3A : i32
    %jit3A_9 = arith.constant 1 : i32
    %select_n3A = arith.select %eq3A_8, %jit3A_9, %jit3A : i32
    %rem3A = vector.broadcast %select_n3A : i32 to vector<16xi32>
    %rem3A_10 = arith.remsi %mul3A_7, %rem3A : vector<16xi32>
    %ne3A = arith.constant 0 : i32
    %ne3A_11 = vector.broadcast %ne3A : i32 to vector<16xi32>
    %ne3A_12 = arith.cmpi ne, %rem3A_10, %ne3A_11 : vector<16xi32>
    %lt3A = arith.constant 0 : i32
    %lt3A_13 = vector.broadcast %lt3A : i32 to vector<16xi32>
    %lt3A_14 = arith.cmpi slt, %rem3A_10, %lt3A_13 : vector<16xi32>
    %lt3A_15 = arith.constant 0 : i32
    %lt3A_16 = arith.cmpi slt, %select_n3A, %lt3A_15 : i32
    %ne3A_17 = vector.broadcast %lt3A_16 : i1 to vector<16xi1>
    %ne3A_18 = vector.broadcast %ne3A_17 : vector<16xi1> to vector<16xi1>
    %ne3A_19 = arith.xori %lt3A_14, %ne3A_18 : vector<16xi1>
    %and3A = arith.andi %ne3A_19, %ne3A_12 : vector<16xi1>
    %add3A_20 = vector.broadcast %select_n3A : i32 to vector<16xi32>
    %add3A_21 = arith.addi %rem3A_10, %add3A_20 : vector<16xi32>
    %select_n3A_22 = arith.select %and3A, %add3A_21, %rem3A_10 : vector<16xi1>, vector<16xi32>
    %mul3A_23 = arith.constant 2 : i32
    %mul3A_24 = vector.broadcast %mul3A_23 : i32 to vector<16xi32>
    %mul3A_25 = arith.muli %mul3A_24, %iota3A : vector<16xi32>
    %add3A_26 = arith.constant 1 : i32
    %add3A_27 = vector.broadcast %add3A_26 : i32 to vector<16xi32>
    %add3A_28 = arith.addi %mul3A_25, %add3A_27 : vector<16xi32>
    %jit3A_29 = arith.constant 16 : i32
    %eq3A_30 = arith.constant 0 : i32
    %eq3A_31 = arith.cmpi eq, %jit3A_29, %eq3A_30 : i32
    %jit3A_32 = arith.constant 1 : i32
    %select_n3A_33 = arith.select %eq3A_31, %jit3A_32, %jit3A_29 : i32
    %rem3A_34 = vector.broadcast %select_n3A_33 : i32 to vector<16xi32>
    %rem3A_35 = arith.remsi %add3A_28, %rem3A_34 : vector<16xi32>
    %ne3A_36 = arith.constant 0 : i32
    %ne3A_37 = vector.broadcast %ne3A_36 : i32 to vector<16xi32>
    %ne3A_38 = arith.cmpi ne, %rem3A_35, %ne3A_37 : vector<16xi32>
    %lt3A_39 = arith.constant 0 : i32
    %lt3A_40 = vector.broadcast %lt3A_39 : i32 to vector<16xi32>
    %lt3A_41 = arith.cmpi slt, %rem3A_35, %lt3A_40 : vector<16xi32>
    %lt3A_42 = arith.constant 0 : i32
    %lt3A_43 = arith.cmpi slt, %select_n3A_33, %lt3A_42 : i32
    %ne3A_44 = vector.broadcast %lt3A_43 : i1 to vector<16xi1>
    %ne3A_45 = vector.broadcast %ne3A_44 : vector<16xi1> to vector<16xi1>
    %ne3A_46 = arith.xori %lt3A_41, %ne3A_45 : vector<16xi1>
    %and3A_47 = arith.andi %ne3A_46, %ne3A_38 : vector<16xi1>
    %add3A_48 = vector.broadcast %select_n3A_33 : i32 to vector<16xi32>
    %add3A_49 = arith.addi %rem3A_35, %add3A_48 : vector<16xi32>
    %select_n3A_50 = arith.select %and3A_47, %add3A_49, %rem3A_35 : vector<16xi1>, vector<16xi32>
    %lt3A_51 = arith.constant 8 : i32
    %lt3A_52 = vector.broadcast %lt3A_51 : i32 to vector<16xi32>
    %lt3A_53 = arith.cmpi slt, %iota3A, %lt3A_52 : vector<16xi32>
    %get3A = arith.constant 0 : index
    %get3A_54 = tpu.vector_load %arg5[%get3A] {strides = array<i32>} : memref<256xi32, #tpu.memory_space<vmem>>, vector<16xi32>,
    %get3A_55 = vector.shape_cast %get3A_54 : vector<16xi32> to vector<16xi32>
    %get3A_56 = arith.constant 16 : index
    %get3A_57 = tpu.vector_load %arg5[%get3A_56] {strides = array<i32>} : memref<256xi32, #tpu.memory_space<vmem>>, vector<16xi32>,
    %get3A_58 = vector.shape_cast %get3A_57 : vector<16xi32> to vector<16xi32>
    %lt3A_59 = arith.constant 0 : i32
    %lt3A_60 = vector.broadcast %lt3A_59 : i32 to vector<16xi32>
    %lt3A_61 = arith.cmpi slt, %select_n3A_22, %lt3A_60 : vector<16xi32>
    %add3A_62 = arith.constant 16 : i32
    %add3A_63 = vector.broadcast %add3A_62 : i32 to vector<16xi32>
    %add3A_64 = arith.addi %select_n3A_22, %add3A_63 : vector<16xi32>
    %select_n3A_65 = arith.select %lt3A_61, %add3A_64, %select_n3A_22 : vector<16xi1>, vector<16xi32>
    %broadcast_in_dim3A = vector.shape_cast %select_n3A_65 : vector<16xi32> to vector<16x1xi32>
    %gather3A = vector.shape_cast %broadcast_in_dim3A : vector<16x1xi32> to vector<16xi32>
    %gather3A_66 = tpu.dynamic_gather %get3A_55[%gather3A] in [0] : vector<16xi32>, vector<16xi32> -> vector<16xi32>
    %lt3A_67 = arith.constant 0 : i32
    %lt3A_68 = vector.broadcast %lt3A_67 : i32 to vector<16xi32>
    %lt3A_69 = arith.cmpi slt, %select_n3A_22, %lt3A_68 : vector<16xi32>
    %add3A_70 = arith.constant 16 : i32
    %add3A_71 = vector.broadcast %add3A_70 : i32 to vector<16xi32>
    %add3A_72 = arith.addi %select_n3A_22, %add3A_71 : vector<16xi32>
    %select_n3A_73 = arith.select %lt3A_69, %add3A_72, %select_n3A_22 : vector<16xi1>, vector<16xi32>
    %broadcast_in_dim3A_74 = vector.shape_cast %select_n3A_73 : vector<16xi32> to vector<16x1xi32>
    %gather3A_75 = vector.shape_cast %broadcast_in_dim3A_74 : vector<16x1xi32> to vector<16xi32>
    %gather3A_76 = tpu.dynamic_gather %get3A_58[%gather3A_75] in [0] : vector<16xi32>, vector<16xi32> -> vector<16xi32>
    %select_n3A_77 = arith.select %lt3A_53, %gather3A_66, %gather3A_76 : vector<16xi1>, vector<16xi32>
    %swap3A = arith.constant 0 : index
    %swap3A_78 = tpu.vector_load %arg6[%swap3A] {strides = array<i32>} : memref<256xi32, #tpu.memory_space<vmem>>, vector<16xi32>,
    %swap3A_79 = vector.shape_cast %swap3A_78 : vector<16xi32> to vector<16xi32>
    %swap3A_80 = vector.shape_cast %select_n3A_77 : vector<16xi32> to vector<16xi32>
    tpu.vector_store %arg6[%swap3A], %swap3A_80 {strides = array<i32>} : memref<256xi32, #tpu.memory_space<vmem>>, vector<16xi32>,
    %lt3A_81 = arith.constant 0 : i32
    %lt3A_82 = vector.broadcast %lt3A_81 : i32 to vector<16xi32>
    %lt3A_83 = arith.cmpi slt, %select_n3A_50, %lt3A_82 : vector<16xi32>
    %add3A_84 = arith.constant 16 : i32
    %add3A_85 = vector.broadcast %add3A_84 : i32 to vector<16xi32>
    %add3A_86 = arith.addi %select_n3A_50, %add3A_85 : vector<16xi32>
    %select_n3A_87 = arith.select %lt3A_83, %add3A_86, %select_n3A_50 : vector<16xi1>, vector<16xi32>
    %broadcast_in_dim3A_88 = vector.shape_cast %select_n3A_87 : vector<16xi32> to vector<16x1xi32>
    %gather3A_89 = vector.shape_cast %broadcast_in_dim3A_88 : vector<16x1xi32> to vector<16xi32>
    %gather3A_90 = tpu.dynamic_gather %get3A_55[%gather3A_89] in [0] : vector<16xi32>, vector<16xi32> -> vector<16xi32>
    %lt3A_91 = arith.constant 0 : i32
    %lt3A_92 = vector.broadcast %lt3A_91 : i32 to vector<16xi32>
    %lt3A_93 = arith.cmpi slt, %select_n3A_50, %lt3A_92 : vector<16xi32>
    %add3A_94 = arith.constant 16 : i32
    %add3A_95 = vector.broadcast %add3A_94 : i32 to vector<16xi32>
    %add3A_96 = arith.addi %select_n3A_50, %add3A_95 : vector<16xi32>
    %select_n3A_97 = arith.select %lt3A_93, %add3A_96, %select_n3A_50 : vector<16xi1>, vector<16xi32>
    %broadcast_in_dim3A_98 = vector.shape_cast %select_n3A_97 : vector<16xi32> to vector<16x1xi32>
    %gather3A_99 = vector.shape_cast %broadcast_in_dim3A_98 : vector<16x1xi32> to vector<16xi32>
    %gather3A_100 = tpu.dynamic_gather %get3A_58[%gather3A_99] in [0] : vector<16xi32>, vector<16xi32> -> vector<16xi32>
    %select_n3A_101 = arith.select %lt3A_53, %gather3A_90, %gather3A_100 : vector<16xi1>, vector<16xi32>
    %swap3A_102 = arith.constant 16 : index
    %swap3A_103 = tpu.vector_load %arg6[%swap3A_102] {strides = array<i32>} : memref<256xi32, #tpu.memory_space<vmem>>, vector<16xi32>,
    %swap3A_104 = vector.shape_cast %swap3A_103 : vector<16xi32> to vector<16xi32>
    %swap3A_105 = vector.shape_cast %select_n3A_101 : vector<16xi32> to vector<16xi32>
    tpu.vector_store %arg6[%swap3A_102], %swap3A_105 {strides = array<i32>} : memref<256xi32, #tpu.memory_space<vmem>>, vector<16xi32>,
    %get3A_106 = arith.constant 32 : index
    %get3A_107 = tpu.vector_load %arg5[%get3A_106] {strides = array<i32>} : memref<256xi32, #tpu.memory_space<vmem>>, vector<16xi32>,
    %get3A_108 = vector.shape_cast %get3A_107 : vector<16xi32> to vector<16xi32>
    %get3A_109 = arith.constant 48 : index
    %get3A_110 = tpu.vector_load %arg5[%get3A_109] {strides = array<i32>} : memref<256xi32, #tpu.memory_space<vmem>>, vector<16xi32>,
    %get3A_111 = vector.shape_cast %get3A_110 : vector<16xi32> to vector<16xi32>
    %lt3A_112 = arith.constant 0 : i32
    %lt3A_113 = vector.broadcast %lt3A_112 : i32 to vector<16xi32>
    %lt3A_114 = arith.cmpi slt, %select_n3A_22, %lt3A_113 : vector<16xi32>
    %add3A_115 = arith.constant 16 : i32
    %add3A_116 = vector.broadcast %add3A_115 : i32 to vector<16xi32>
    %add3A_117 = arith.addi %select_n3A_22, %add3A_116 : vector<16xi32>
    %select_n3A_118 = arith.select %lt3A_114, %add3A_117, %select_n3A_22 : vector<16xi1>, vector<16xi32>
    %broadcast_in_dim3A_119 = vector.shape_cast %select_n3A_118 : vector<16xi32> to vector<16x1xi32>
    %gather3A_120 = vector.shape_cast %broadcast_in_dim3A_119 : vector<16x1xi32> to vector<16xi32>
    %gather3A_121 = tpu.dynamic_gather %get3A_108[%gather3A_120] in [0] : vector<16xi32>, vector<16xi32> -> vector<16xi32>
    %lt3A_122 = arith.constant 0 : i32
    %lt3A_123 = vector.broadcast %lt3A_122 : i32 to vector<16xi32>
    %lt3A_124 = arith.cmpi slt, %select_n3A_22, %lt3A_123 : vector<16xi32>
    %add3A_125 = arith.constant 16 : i32
    %add3A_126 = vector.broadcast %add3A_125 : i32 to vector<16xi32>
    %add3A_127 = arith.addi %select_n3A_22, %add3A_126 : vector<16xi32>
    %select_n3A_128 = arith.select %lt3A_124, %add3A_127, %select_n3A_22 : vector<16xi1>, vector<16xi32>
    %broadcast_in_dim3A_129 = vector.shape_cast %select_n3A_128 : vector<16xi32> to vector<16x1xi32>
    %gather3A_130 = vector.shape_cast %broadcast_in_dim3A_129 : vector<16x1xi32> to vector<16xi32>
    %gather3A_131 = tpu.dynamic_gather %get3A_111[%gather3A_130] in [0] : vector<16xi32>, vector<16xi32> -> vector<16xi32>
    %select_n3A_132 = arith.select %lt3A_53, %gather3A_121, %gather3A_131 : vector<16xi1>, vector<16xi32>
    %swap3A_133 = arith.constant 32 : index
    %swap3A_134 = tpu.vector_load %arg6[%swap3A_133] {strides = array<i32>} : memref<256xi32, #tpu.memory_space<vmem>>, vector<16xi32>,
    %swap3A_135 = vector.shape_cast %swap3A_134 : vector<16xi32> to vector<16xi32>
    %swap3A_136 = vector.shape_cast %select_n3A_132 : vector<16xi32> to vector<16xi32>
    tpu.vector_store %arg6[%swap3A_133], %swap3A_136 {strides = array<i32>} : memref<256xi32, #tpu.memory_space<vmem>>, vector<16xi32>,
    %lt3A_137 = arith.constant 0 : i32
    %lt3A_138 = vector.broadcast %lt3A_137 : i32 to vector<16xi32>
    %lt3A_139 = arith.cmpi slt, %select_n3A_50, %lt3A_138 : vector<16xi32>
    %add3A_140 = arith.constant 16 : i32
    %add3A_141 = vector.broadcast %add3A_140 : i32 to vector<16xi32>
    %add3A_142 = arith.addi %select_n3A_50, %add3A_141 : vector<16xi32>
    %select_n3A_143 = arith.select %lt3A_139, %add3A_142, %select_n3A_50 : vector<16xi1>, vector<16xi32>
    %broadcast_in_dim3A_144 = vector.shape_cast %select_n3A_143 : vector<16xi32> to vector<16x1xi32>
    %gather3A_145 = vector.shape_cast %broadcast_in_dim3A_144 : vector<16x1xi32> to vector<16xi32>
    %gather3A_146 = tpu.dynamic_gather %get3A_108[%gather3A_145] in [0] : vector<16xi32>, vector<16xi32> -> vector<16xi32>
    %lt3A_147 = arith.constant 0 : i32
    %lt3A_148 = vector.broadcast %lt3A_147 : i32 to vector<16xi32>
    %lt3A_149 = arith.cmpi slt, %select_n3A_50, %lt3A_148 : vector<16xi32>
    %add3A_150 = arith.constant 16 : i32
    %add3A_151 = vector.broadcast %add3A_150 : i32 to vector<16xi32>
    %add3A_152 = arith.addi %select_n3A_50, %add3A_151 : vector<16xi32>
    %select_n3A_153 = arith.select %lt3A_149, %add3A_152, %select_n3A_50 : vector<16xi1>, vector<16xi32>
    %broadcast_in_dim3A_154 = vector.shape_cast %select_n3A_153 : vector<16xi32> to vector<16x1xi32>
    %gather3A_155 = vector.shape_cast %broadcast_in_dim3A_154 : vector<16x1xi32> to vector<16xi32>
    %gather3A_156 = tpu.dynamic_gather %get3A_111[%gather3A_155] in [0] : vector<16xi32>, vector<16xi32> -> vector<16xi32>
    %select_n3A_157 = arith.select %lt3A_53, %gather3A_146, %gather3A_156 : vector<16xi1>, vector<16xi32>
    %swap3A_158 = arith.constant 48 : index
    %swap3A_159 = tpu.vector_load %arg6[%swap3A_158] {strides = array<i32>} : memref<256xi32, #tpu.memory_space<vmem>>, vector<16xi32>,
    %swap3A_160 = vector.shape_cast %swap3A_159 : vector<16xi32> to vector<16xi32>
    %swap3A_161 = vector.shape_cast %select_n3A_157 : vector<16xi32> to vector<16xi32>
    tpu.vector_store %arg6[%swap3A_158], %swap3A_161 {strides = array<i32>} : memref<256xi32, #tpu.memory_space<vmem>>, vector<16xi32>,
    %get3A_162 = arith.constant 64 : index
    %get3A_163 = tpu.vector_load %arg5[%get3A_162] {strides = array<i32>} : memref<256xi32, #tpu.memory_space<vmem>>, vector<16xi32>,
    %get3A_164 = vector.shape_cast %get3A_163 : vector<16xi32> to vector<16xi32>
    %get3A_165 = arith.constant 80 : index
    %get3A_166 = tpu.vector_load %arg5[%get3A_165] {strides = array<i32>} : memref<256xi32, #tpu.memory_space<vmem>>, vector<16xi32>,
    %get3A_167 = vector.shape_cast %get3A_166 : vector<16xi32> to vector<16xi32>
    %lt3A_168 = arith.constant 0 : i32
    %lt3A_169 = vector.broadcast %lt3A_168 : i32 to vector<16xi32>
    %lt3A_170 = arith.cmpi slt, %select_n3A_22, %lt3A_169 : vector<16xi32>
    %add3A_171 = arith.constant 16 : i32
    %add3A_172 = vector.broadcast %add3A_171 : i32 to vector<16xi32>
    %add3A_173 = arith.addi %select_n3A_22, %add3A_172 : vector<16xi32>
    %select_n3A_174 = arith.select %lt3A_170, %add3A_173, %select_n3A_22 : vector<16xi1>, vector<16xi32>
    %broadcast_in_dim3A_175 = vector.shape_cast %select_n3A_174 : vector<16xi32> to vector<16x1xi32>
    %gather3A_176 = vector.shape_cast %broadcast_in_dim3A_175 : vector<16x1xi32> to vector<16xi32>
    %gather3A_177 = tpu.dynamic_gather %get3A_164[%gather3A_176] in [0] : vector<16xi32>, vector<16xi32> -> vector<16xi32>
    %lt3A_178 = arith.constant 0 : i32
    %lt3A_179 = vector.broadcast %lt3A_178 : i32 to vector<16xi32>
    %lt3A_180 = arith.cmpi slt, %select_n3A_22, %lt3A_179 : vector<16xi32>
    %add3A_181 = arith.constant 16 : i32
    %add3A_182 = vector.broadcast %add3A_181 : i32 to vector<16xi32>
    %add3A_183 = arith.addi %select_n3A_22, %add3A_182 : vector<16xi32>
    %select_n3A_184 = arith.select %lt3A_180, %add3A_183, %select_n3A_22 : vector<16xi1>, vector<16xi32>
    %broadcast_in_dim3A_185 = vector.shape_cast %select_n3A_184 : vector<16xi32> to vector<16x1xi32>
    %gather3A_186 = vector.shape_cast %broadcast_in_dim3A_185 : vector<16x1xi32> to vector<16xi32>
    %gather3A_187 = tpu.dynamic_gather %get3A_167[%gather3A_186] in [0] : vector<16xi32>, vector<16xi32> -> vector<16xi32>
    %select_n3A_188 = arith.select %lt3A_53, %gather3A_177, %gather3A_187 : vector<16xi1>, vector<16xi32>
    %swap3A_189 = arith.constant 64 : index
    %swap3A_190 = tpu.vector_load %arg6[%swap3A_189] {strides = array<i32>} : memref<256xi32, #tpu.memory_space<vmem>>, vector<16xi32>,
    %swap3A_191 = vector.shape_cast %swap3A_190 : vector<16xi32> to vector<16xi32>
    %swap3A_192 = vector.shape_cast %select_n3A_188 : vector<16xi32> to vector<16xi32>
    tpu.vector_store %arg6[%swap3A_189], %swap3A_192 {strides = array<i32>} : memref<256xi32, #tpu.memory_space<vmem>>, vector<16xi32>,
    %lt3A_193 = arith.constant 0 : i32
    %lt3A_194 = vector.broadcast %lt3A_193 : i32 to vector<16xi32>
    %lt3A_195 = arith.cmpi slt, %select_n3A_50, %lt3A_194 : vector<16xi32>
    %add3A_196 = arith.constant 16 : i32
    %add3A_197 = vector.broadcast %add3A_196 : i32 to vector<16xi32>
    %add3A_198 = arith.addi %select_n3A_50, %add3A_197 : vector<16xi32>
    %select_n3A_199 = arith.select %lt3A_195, %add3A_198, %select_n3A_50 : vector<16xi1>, vector<16xi32>
    %broadcast_in_dim3A_200 = vector.shape_cast %select_n3A_199 : vector<16xi32> to vector<16x1xi32>
    %gather3A_201 = vector.shape_cast %broadcast_in_dim3A_200 : vector<16x1xi32> to vector<16xi32>
    %gather3A_202 = tpu.dynamic_gather %get3A_164[%gather3A_201] in [0] : vector<16xi32>, vector<16xi32> -> vector<16xi32>
    %lt3A_203 = arith.constant 0 : i32
    %lt3A_204 = vector.broadcast %lt3A_203 : i32 to vector<16xi32>
    %lt3A_205 = arith.cmpi slt, %select_n3A_50, %lt3A_204 : vector<16xi32>
    %add3A_206 = arith.constant 16 : i32
    %add3A_207 = vector.broadcast %add3A_206 : i32 to vector<16xi32>
    %add3A_208 = arith.addi %select_n3A_50, %add3A_207 : vector<16xi32>
    %select_n3A_209 = arith.select %lt3A_205, %add3A_208, %select_n3A_50 : vector<16xi1>, vector<16xi32>
    %broadcast_in_dim3A_210 = vector.shape_cast %select_n3A_209 : vector<16xi32> to vector<16x1xi32>
    %gather3A_211 = vector.shape_cast %broadcast_in_dim3A_210 : vector<16x1xi32> to vector<16xi32>
    %gather3A_212 = tpu.dynamic_gather %get3A_167[%gather3A_211] in [0] : vector<16xi32>, vector<16xi32> -> vector<16xi32>
    %select_n3A_213 = arith.select %lt3A_53, %gather3A_202, %gather3A_212 : vector<16xi1>, vector<16xi32>
    %swap3A_214 = arith.constant 80 : index
    %swap3A_215 = tpu.vector_load %arg6[%swap3A_214] {strides = array<i32>} : memref<256xi32, #tpu.memory_space<vmem>>, vector<16xi32>,
    %swap3A_216 = vector.shape_cast %swap3A_215 : vector<16xi32> to vector<16xi32>
    %swap3A_217 = vector.shape_cast %select_n3A_213 : vector<16xi32> to vector<16xi32>
    tpu.vector_store %arg6[%swap3A_214], %swap3A_217 {strides = array<i32>} : memref<256xi32, #tpu.memory_space<vmem>>, vector<16xi32>,
    %get3A_218 = arith.constant 96 : index
    %get3A_219 = tpu.vector_load %arg5[%get3A_218] {strides = array<i32>} : memref<256xi32, #tpu.memory_space<vmem>>, vector<16xi32>,
    %get3A_220 = vector.shape_cast %get3A_219 : vector<16xi32> to vector<16xi32>
    %get3A_221 = arith.constant 112 : index
    %get3A_222 = tpu.vector_load %arg5[%get3A_221] {strides = array<i32>} : memref<256xi32, #tpu.memory_space<vmem>>, vector<16xi32>,
    %get3A_223 = vector.shape_cast %get3A_222 : vector<16xi32> to vector<16xi32>
    %lt3A_224 = arith.constant 0 : i32
    %lt3A_225 = vector.broadcast %lt3A_224 : i32 to vector<16xi32>
    %lt3A_226 = arith.cmpi slt, %select_n3A_22, %lt3A_225 : vector<16xi32>
    %add3A_227 = arith.constant 16 : i32
    %add3A_228 = vector.broadcast %add3A_227 : i32 to vector<16xi32>
    %add3A_229 = arith.addi %select_n3A_22, %add3A_228 : vector<16xi32>
    %select_n3A_230 = arith.select %lt3A_226, %add3A_229, %select_n3A_22 : vector<16xi1>, vector<16xi32>
    %broadcast_in_dim3A_231 = vector.shape_cast %select_n3A_230 : vector<16xi32> to vector<16x1xi32>
    %gather3A_232 = vector.shape_cast %broadcast_in_dim3A_231 : vector<16x1xi32> to vector<16xi32>
    %gather3A_233 = tpu.dynamic_gather %get3A_220[%gather3A_232] in [0] : vector<16xi32>, vector<16xi32> -> vector<16xi32>
    %lt3A_234 = arith.constant 0 : i32
    %lt3A_235 = vector.broadcast %lt3A_234 : i32 to vector<16xi32>
    %lt3A_236 = arith.cmpi slt, %select_n3A_22, %lt3A_235 : vector<16xi32>
    %add3A_237 = arith.constant 16 : i32
    %add3A_238 = vector.broadcast %add3A_237 : i32 to vector<16xi32>
    %add3A_239 = arith.addi %select_n3A_22, %add3A_238 : vector<16xi32>
    %select_n3A_240 = arith.select %lt3A_236, %add3A_239, %select_n3A_22 : vector<16xi1>, vector<16xi32>
    %broadcast_in_dim3A_241 = vector.shape_cast %select_n3A_240 : vector<16xi32> to vector<16x1xi32>
    %gather3A_242 = vector.shape_cast %broadcast_in_dim3A_241 : vector<16x1xi32> to vector<16xi32>
    %gather3A_243 = tpu.dynamic_gather %get3A_223[%gather3A_242] in [0] : vector<16xi32>, vector<16xi32> -> vector<16xi32>
    %select_n3A_244 = arith.select %lt3A_53, %gather3A_233, %gather3A_243 : vector<16xi1>, vector<16xi32>
    %swap3A_245 = arith.constant 96 : index
    %swap3A_246 = tpu.vector_load %arg6[%swap3A_245] {strides = array<i32>} : memref<256xi32, #tpu.memory_space<vmem>>, vector<16xi32>,
    %swap3A_247 = vector.shape_cast %swap3A_246 : vector<16xi32> to vector<16xi32>
    %swap3A_248 = vector.shape_cast %select_n3A_244 : vector<16xi32> to vector<16xi32>
    tpu.vector_store %arg6[%swap3A_245], %swap3A_248 {strides = array<i32>} : memref<256xi32, #tpu.memory_space<vmem>>, vector<16xi32>,
    %lt3A_249 = arith.constant 0 : i32
    %lt3A_250 = vector.broadcast %lt3A_249 : i32 to vector<16xi32>
    %lt3A_251 = arith.cmpi slt, %select_n3A_50, %lt3A_250 : vector<16xi32>
    %add3A_252 = arith.constant 16 : i32
    %add3A_253 = vector.broadcast %add3A_252 : i32 to vector<16xi32>
    %add3A_254 = arith.addi %select_n3A_50, %add3A_253 : vector<16xi32>
    %select_n3A_255 = arith.select %lt3A_251, %add3A_254, %select_n3A_50 : vector<16xi1>, vector<16xi32>
    %broadcast_in_dim3A_256 = vector.shape_cast %select_n3A_255 : vector<16xi32> to vector<16x1xi32>
    %gather3A_257 = vector.shape_cast %broadcast_in_dim3A_256 : vector<16x1xi32> to vector<16xi32>
    %gather3A_258 = tpu.dynamic_gather %get3A_220[%gather3A_257] in [0] : vector<16xi32>, vector<16xi32> -> vector<16xi32>
    %lt3A_259 = arith.constant 0 : i32
    %lt3A_260 = vector.broadcast %lt3A_259 : i32 to vector<16xi32>
    %lt3A_261 = arith.cmpi slt, %select_n3A_50, %lt3A_260 : vector<16xi32>
    %add3A_262 = arith.constant 16 : i32
    %add3A_263 = vector.broadcast %add3A_262 : i32 to vector<16xi32>
    %add3A_264 = arith.addi %select_n3A_50, %add3A_263 : vector<16xi32>
    %select_n3A_265 = arith.select %lt3A_261, %add3A_264, %select_n3A_50 : vector<16xi1>, vector<16xi32>
    %broadcast_in_dim3A_266 = vector.shape_cast %select_n3A_265 : vector<16xi32> to vector<16x1xi32>
    %gather3A_267 = vector.shape_cast %broadcast_in_dim3A_266 : vector<16x1xi32> to vector<16xi32>
    %gather3A_268 = tpu.dynamic_gather %get3A_223[%gather3A_267] in [0] : vector<16xi32>, vector<16xi32> -> vector<16xi32>
    %select_n3A_269 = arith.select %lt3A_53, %gather3A_258, %gather3A_268 : vector<16xi1>, vector<16xi32>
    %swap3A_270 = arith.constant 112 : index
    %swap3A_271 = tpu.vector_load %arg6[%swap3A_270] {strides = array<i32>} : memref<256xi32, #tpu.memory_space<vmem>>, vector<16xi32>,
    %swap3A_272 = vector.shape_cast %swap3A_271 : vector<16xi32> to vector<16xi32>
    %swap3A_273 = vector.shape_cast %select_n3A_269 : vector<16xi32> to vector<16xi32>
    tpu.vector_store %arg6[%swap3A_270], %swap3A_273 {strides = array<i32>} : memref<256xi32, #tpu.memory_space<vmem>>, vector<16xi32>,
    %get3A_274 = arith.constant 128 : index
    %get3A_275 = tpu.vector_load %arg5[%get3A_274] {strides = array<i32>} : memref<256xi32, #tpu.memory_space<vmem>>, vector<16xi32>,
    %get3A_276 = vector.shape_cast %get3A_275 : vector<16xi32> to vector<16xi32>
    %get3A_277 = arith.constant 144 : index
    %get3A_278 = tpu.vector_load %arg5[%get3A_277] {strides = array<i32>} : memref<256xi32, #tpu.memory_space<vmem>>, vector<16xi32>,
    %get3A_279 = vector.shape_cast %get3A_278 : vector<16xi32> to vector<16xi32>
    %lt3A_280 = arith.constant 0 : i32
    %lt3A_281 = vector.broadcast %lt3A_280 : i32 to vector<16xi32>
    %lt3A_282 = arith.cmpi slt, %select_n3A_22, %lt3A_281 : vector<16xi32>
    %add3A_283 = arith.constant 16 : i32
    %add3A_284 = vector.broadcast %add3A_283 : i32 to vector<16xi32>
    %add3A_285 = arith.addi %select_n3A_22, %add3A_284 : vector<16xi32>
    %select_n3A_286 = arith.select %lt3A_282, %add3A_285, %select_n3A_22 : vector<16xi1>, vector<16xi32>
    %broadcast_in_dim3A_287 = vector.shape_cast %select_n3A_286 : vector<16xi32> to vector<16x1xi32>
    %gather3A_288 = vector.shape_cast %broadcast_in_dim3A_287 : vector<16x1xi32> to vector<16xi32>
    %gather3A_289 = tpu.dynamic_gather %get3A_276[%gather3A_288] in [0] : vector<16xi32>, vector<16xi32> -> vector<16xi32>
    %lt3A_290 = arith.constant 0 : i32
    %lt3A_291 = vector.broadcast %lt3A_290 : i32 to vector<16xi32>
    %lt3A_292 = arith.cmpi slt, %select_n3A_22, %lt3A_291 : vector<16xi32>
    %add3A_293 = arith.constant 16 : i32
    %add3A_294 = vector.broadcast %add3A_293 : i32 to vector<16xi32>
    %add3A_295 = arith.addi %select_n3A_22, %add3A_294 : vector<16xi32>
    %select_n3A_296 = arith.select %lt3A_292, %add3A_295, %select_n3A_22 : vector<16xi1>, vector<16xi32>
    %broadcast_in_dim3A_297 = vector.shape_cast %select_n3A_296 : vector<16xi32> to vector<16x1xi32>
    %gather3A_298 = vector.shape_cast %broadcast_in_dim3A_297 : vector<16x1xi32> to vector<16xi32>
    %gather3A_299 = tpu.dynamic_gather %get3A_279[%gather3A_298] in [0] : vector<16xi32>, vector<16xi32> -> vector<16xi32>
    %select_n3A_300 = arith.select %lt3A_53, %gather3A_289, %gather3A_299 : vector<16xi1>, vector<16xi32>
    %swap3A_301 = arith.constant 128 : index
    %swap3A_302 = tpu.vector_load %arg6[%swap3A_301] {strides = array<i32>} : memref<256xi32, #tpu.memory_space<vmem>>, vector<16xi32>,
    %swap3A_303 = vector.shape_cast %swap3A_302 : vector<16xi32> to vector<16xi32>
    %swap3A_304 = vector.shape_cast %select_n3A_300 : vector<16xi32> to vector<16xi32>
    tpu.vector_store %arg6[%swap3A_301], %swap3A_304 {strides = array<i32>} : memref<256xi32, #tpu.memory_space<vmem>>, vector<16xi32>,
    %lt3A_305 = arith.constant 0 : i32
    %lt3A_306 = vector.broadcast %lt3A_305 : i32 to vector<16xi32>
    %lt3A_307 = arith.cmpi slt, %select_n3A_50, %lt3A_306 : vector<16xi32>
    %add3A_308 = arith.constant 16 : i32
    %add3A_309 = vector.broadcast %add3A_308 : i32 to vector<16xi32>
    %add3A_310 = arith.addi %select_n3A_50, %add3A_309 : vector<16xi32>
    %select_n3A_311 = arith.select %lt3A_307, %add3A_310, %select_n3A_50 : vector<16xi1>, vector<16xi32>
    %broadcast_in_dim3A_312 = vector.shape_cast %select_n3A_311 : vector<16xi32> to vector<16x1xi32>
    %gather3A_313 = vector.shape_cast %broadcast_in_dim3A_312 : vector<16x1xi32> to vector<16xi32>
    %gather3A_314 = tpu.dynamic_gather %get3A_276[%gather3A_313] in [0] : vector<16xi32>, vector<16xi32> -> vector<16xi32>
    %lt3A_315 = arith.constant 0 : i32
    %lt3A_316 = vector.broadcast %lt3A_315 : i32 to vector<16xi32>
    %lt3A_317 = arith.cmpi slt, %select_n3A_50, %lt3A_316 : vector<16xi32>
    %add3A_318 = arith.constant 16 : i32
    %add3A_319 = vector.broadcast %add3A_318 : i32 to vector<16xi32>
    %add3A_320 = arith.addi %select_n3A_50, %add3A_319 : vector<16xi32>
    %select_n3A_321 = arith.select %lt3A_317, %add3A_320, %select_n3A_50 : vector<16xi1>, vector<16xi32>
    %broadcast_in_dim3A_322 = vector.shape_cast %select_n3A_321 : vector<16xi32> to vector<16x1xi32>
    %gather3A_323 = vector.shape_cast %broadcast_in_dim3A_322 : vector<16x1xi32> to vector<16xi32>
    %gather3A_324 = tpu.dynamic_gather %get3A_279[%gather3A_323] in [0] : vector<16xi32>, vector<16xi32> -> vector<16xi32>
    %select_n3A_325 = arith.select %lt3A_53, %gather3A_314, %gather3A_324 : vector<16xi1>, vector<16xi32>
    %swap3A_326 = arith.constant 144 : index
    %swap3A_327 = tpu.vector_load %arg6[%swap3A_326] {strides = array<i32>} : memref<256xi32, #tpu.memory_space<vmem>>, vector<16xi32>,
    %swap3A_328 = vector.shape_cast %swap3A_327 : vector<16xi32> to vector<16xi32>
    %swap3A_329 = vector.shape_cast %select_n3A_325 : vector<16xi32> to vector<16xi32>
    tpu.vector_store %arg6[%swap3A_326], %swap3A_329 {strides = array<i32>} : memref<256xi32, #tpu.memory_space<vmem>>, vector<16xi32>,
    %get3A_330 = arith.constant 160 : index
    %get3A_331 = tpu.vector_load %arg5[%get3A_330] {strides = array<i32>} : memref<256xi32, #tpu.memory_space<vmem>>, vector<16xi32>,
    %get3A_332 = vector.shape_cast %get3A_331 : vector<16xi32> to vector<16xi32>
    %get3A_333 = arith.constant 176 : index
    %get3A_334 = tpu.vector_load %arg5[%get3A_333] {strides = array<i32>} : memref<256xi32, #tpu.memory_space<vmem>>, vector<16xi32>,
    %get3A_335 = vector.shape_cast %get3A_334 : vector<16xi32> to vector<16xi32>
    %lt3A_336 = arith.constant 0 : i32
    %lt3A_337 = vector.broadcast %lt3A_336 : i32 to vector<16xi32>
    %lt3A_338 = arith.cmpi slt, %select_n3A_22, %lt3A_337 : vector<16xi32>
    %add3A_339 = arith.constant 16 : i32
    %add3A_340 = vector.broadcast %add3A_339 : i32 to vector<16xi32>
    %add3A_341 = arith.addi %select_n3A_22, %add3A_340 : vector<16xi32>
    %select_n3A_342 = arith.select %lt3A_338, %add3A_341, %select_n3A_22 : vector<16xi1>, vector<16xi32>
    %broadcast_in_dim3A_343 = vector.shape_cast %select_n3A_342 : vector<16xi32> to vector<16x1xi32>
    %gather3A_344 = vector.shape_cast %broadcast_in_dim3A_343 : vector<16x1xi32> to vector<16xi32>
    %gather3A_345 = tpu.dynamic_gather %get3A_332[%gather3A_344] in [0] : vector<16xi32>, vector<16xi32> -> vector<16xi32>
    %lt3A_346 = arith.constant 0 : i32
    %lt3A_347 = vector.broadcast %lt3A_346 : i32 to vector<16xi32>
    %lt3A_348 = arith.cmpi slt, %select_n3A_22, %lt3A_347 : vector<16xi32>
    %add3A_349 = arith.constant 16 : i32
    %add3A_350 = vector.broadcast %add3A_349 : i32 to vector<16xi32>
    %add3A_351 = arith.addi %select_n3A_22, %add3A_350 : vector<16xi32>
    %select_n3A_352 = arith.select %lt3A_348, %add3A_351, %select_n3A_22 : vector<16xi1>, vector<16xi32>
    %broadcast_in_dim3A_353 = vector.shape_cast %select_n3A_352 : vector<16xi32> to vector<16x1xi32>
    %gather3A_354 = vector.shape_cast %broadcast_in_dim3A_353 : vector<16x1xi32> to vector<16xi32>
    %gather3A_355 = tpu.dynamic_gather %get3A_335[%gather3A_354] in [0] : vector<16xi32>, vector<16xi32> -> vector<16xi32>
    %select_n3A_356 = arith.select %lt3A_53, %gather3A_345, %gather3A_355 : vector<16xi1>, vector<16xi32>
    %swap3A_357 = arith.constant 160 : index
    %swap3A_358 = tpu.vector_load %arg6[%swap3A_357] {strides = array<i32>} : memref<256xi32, #tpu.memory_space<vmem>>, vector<16xi32>,
    %swap3A_359 = vector.shape_cast %swap3A_358 : vector<16xi32> to vector<16xi32>
    %swap3A_360 = vector.shape_cast %select_n3A_356 : vector<16xi32> to vector<16xi32>
    tpu.vector_store %arg6[%swap3A_357], %swap3A_360 {strides = array<i32>} : memref<256xi32, #tpu.memory_space<vmem>>, vector<16xi32>,
    %lt3A_361 = arith.constant 0 : i32
    %lt3A_362 = vector.broadcast %lt3A_361 : i32 to vector<16xi32>
    %lt3A_363 = arith.cmpi slt, %select_n3A_50, %lt3A_362 : vector<16xi32>
    %add3A_364 = arith.constant 16 : i32
    %add3A_365 = vector.broadcast %add3A_364 : i32 to vector<16xi32>
    %add3A_366 = arith.addi %select_n3A_50, %add3A_365 : vector<16xi32>
    %select_n3A_367 = arith.select %lt3A_363, %add3A_366, %select_n3A_50 : vector<16xi1>, vector<16xi32>
    %broadcast_in_dim3A_368 = vector.shape_cast %select_n3A_367 : vector<16xi32> to vector<16x1xi32>
    %gather3A_369 = vector.shape_cast %broadcast_in_dim3A_368 : vector<16x1xi32> to vector<16xi32>
    %gather3A_370 = tpu.dynamic_gather %get3A_332[%gather3A_369] in [0] : vector<16xi32>, vector<16xi32> -> vector<16xi32>
    %lt3A_371 = arith.constant 0 : i32
    %lt3A_372 = vector.broadcast %lt3A_371 : i32 to vector<16xi32>
    %lt3A_373 = arith.cmpi slt, %select_n3A_50, %lt3A_372 : vector<16xi32>
    %add3A_374 = arith.constant 16 : i32
    %add3A_375 = vector.broadcast %add3A_374 : i32 to vector<16xi32>
    %add3A_376 = arith.addi %select_n3A_50, %add3A_375 : vector<16xi32>
    %select_n3A_377 = arith.select %lt3A_373, %add3A_376, %select_n3A_50 : vector<16xi1>, vector<16xi32>
    %broadcast_in_dim3A_378 = vector.shape_cast %select_n3A_377 : vector<16xi32> to vector<16x1xi32>
    %gather3A_379 = vector.shape_cast %broadcast_in_dim3A_378 : vector<16x1xi32> to vector<16xi32>
    %gather3A_380 = tpu.dynamic_gather %get3A_335[%gather3A_379] in [0] : vector<16xi32>, vector<16xi32> -> vector<16xi32>
    %select_n3A_381 = arith.select %lt3A_53, %gather3A_370, %gather3A_380 : vector<16xi1>, vector<16xi32>
    %swap3A_382 = arith.constant 176 : index
    %swap3A_383 = tpu.vector_load %arg6[%swap3A_382] {strides = array<i32>} : memref<256xi32, #tpu.memory_space<vmem>>, vector<16xi32>,
    %swap3A_384 = vector.shape_cast %swap3A_383 : vector<16xi32> to vector<16xi32>
    %swap3A_385 = vector.shape_cast %select_n3A_381 : vector<16xi32> to vector<16xi32>
    tpu.vector_store %arg6[%swap3A_382], %swap3A_385 {strides = array<i32>} : memref<256xi32, #tpu.memory_space<vmem>>, vector<16xi32>,
    %get3A_386 = arith.constant 192 : index
    %get3A_387 = tpu.vector_load %arg5[%get3A_386] {strides = array<i32>} : memref<256xi32, #tpu.memory_space<vmem>>, vector<16xi32>,
    %get3A_388 = vector.shape_cast %get3A_387 : vector<16xi32> to vector<16xi32>
    %get3A_389 = arith.constant 208 : index
    %get3A_390 = tpu.vector_load %arg5[%get3A_389] {strides = array<i32>} : memref<256xi32, #tpu.memory_space<vmem>>, vector<16xi32>,
    %get3A_391 = vector.shape_cast %get3A_390 : vector<16xi32> to vector<16xi32>
    %lt3A_392 = arith.constant 0 : i32
    %lt3A_393 = vector.broadcast %lt3A_392 : i32 to vector<16xi32>
    %lt3A_394 = arith.cmpi slt, %select_n3A_22, %lt3A_393 : vector<16xi32>
    %add3A_395 = arith.constant 16 : i32
    %add3A_396 = vector.broadcast %add3A_395 : i32 to vector<16xi32>
    %add3A_397 = arith.addi %select_n3A_22, %add3A_396 : vector<16xi32>
    %select_n3A_398 = arith.select %lt3A_394, %add3A_397, %select_n3A_22 : vector<16xi1>, vector<16xi32>
    %broadcast_in_dim3A_399 = vector.shape_cast %select_n3A_398 : vector<16xi32> to vector<16x1xi32>
    %gather3A_400 = vector.shape_cast %broadcast_in_dim3A_399 : vector<16x1xi32> to vector<16xi32>
    %gather3A_401 = tpu.dynamic_gather %get3A_388[%gather3A_400] in [0] : vector<16xi32>, vector<16xi32> -> vector<16xi32>
    %lt3A_402 = arith.constant 0 : i32
    %lt3A_403 = vector.broadcast %lt3A_402 : i32 to vector<16xi32>
    %lt3A_404 = arith.cmpi slt, %select_n3A_22, %lt3A_403 : vector<16xi32>
    %add3A_405 = arith.constant 16 : i32
    %add3A_406 = vector.broadcast %add3A_405 : i32 to vector<16xi32>
    %add3A_407 = arith.addi %select_n3A_22, %add3A_406 : vector<16xi32>
    %select_n3A_408 = arith.select %lt3A_404, %add3A_407, %select_n3A_22 : vector<16xi1>, vector<16xi32>
    %broadcast_in_dim3A_409 = vector.shape_cast %select_n3A_408 : vector<16xi32> to vector<16x1xi32>
    %gather3A_410 = vector.shape_cast %broadcast_in_dim3A_409 : vector<16x1xi32> to vector<16xi32>
    %gather3A_411 = tpu.dynamic_gather %get3A_391[%gather3A_410] in [0] : vector<16xi32>, vector<16xi32> -> vector<16xi32>
    %select_n3A_412 = arith.select %lt3A_53, %gather3A_401, %gather3A_411 : vector<16xi1>, vector<16xi32>
    %swap3A_413 = arith.constant 192 : index
    %swap3A_414 = tpu.vector_load %arg6[%swap3A_413] {strides = array<i32>} : memref<256xi32, #tpu.memory_space<vmem>>, vector<16xi32>,
    %swap3A_415 = vector.shape_cast %swap3A_414 : vector<16xi32> to vector<16xi32>
    %swap3A_416 = vector.shape_cast %select_n3A_412 : vector<16xi32> to vector<16xi32>
    tpu.vector_store %arg6[%swap3A_413], %swap3A_416 {strides = array<i32>} : memref<256xi32, #tpu.memory_space<vmem>>, vector<16xi32>,
    %lt3A_417 = arith.constant 0 : i32
    %lt3A_418 = vector.broadcast %lt3A_417 : i32 to vector<16xi32>
    %lt3A_419 = arith.cmpi slt, %select_n3A_50, %lt3A_418 : vector<16xi32>
    %add3A_420 = arith.constant 16 : i32
    %add3A_421 = vector.broadcast %add3A_420 : i32 to vector<16xi32>
    %add3A_422 = arith.addi %select_n3A_50, %add3A_421 : vector<16xi32>
    %select_n3A_423 = arith.select %lt3A_419, %add3A_422, %select_n3A_50 : vector<16xi1>, vector<16xi32>
    %broadcast_in_dim3A_424 = vector.shape_cast %select_n3A_423 : vector<16xi32> to vector<16x1xi32>
    %gather3A_425 = vector.shape_cast %broadcast_in_dim3A_424 : vector<16x1xi32> to vector<16xi32>
    %gather3A_426 = tpu.dynamic_gather %get3A_388[%gather3A_425] in [0] : vector<16xi32>, vector<16xi32> -> vector<16xi32>
    %lt3A_427 = arith.constant 0 : i32
    %lt3A_428 = vector.broadcast %lt3A_427 : i32 to vector<16xi32>
    %lt3A_429 = arith.cmpi slt, %select_n3A_50, %lt3A_428 : vector<16xi32>
    %add3A_430 = arith.constant 16 : i32
    %add3A_431 = vector.broadcast %add3A_430 : i32 to vector<16xi32>
    %add3A_432 = arith.addi %select_n3A_50, %add3A_431 : vector<16xi32>
    %select_n3A_433 = arith.select %lt3A_429, %add3A_432, %select_n3A_50 : vector<16xi1>, vector<16xi32>
    %broadcast_in_dim3A_434 = vector.shape_cast %select_n3A_433 : vector<16xi32> to vector<16x1xi32>
    %gather3A_435 = vector.shape_cast %broadcast_in_dim3A_434 : vector<16x1xi32> to vector<16xi32>
    %gather3A_436 = tpu.dynamic_gather %get3A_391[%gather3A_435] in [0] : vector<16xi32>, vector<16xi32> -> vector<16xi32>
    %select_n3A_437 = arith.select %lt3A_53, %gather3A_426, %gather3A_436 : vector<16xi1>, vector<16xi32>
    %swap3A_438 = arith.constant 208 : index
    %swap3A_439 = tpu.vector_load %arg6[%swap3A_438] {strides = array<i32>} : memref<256xi32, #tpu.memory_space<vmem>>, vector<16xi32>,
    %swap3A_440 = vector.shape_cast %swap3A_439 : vector<16xi32> to vector<16xi32>
    %swap3A_441 = vector.shape_cast %select_n3A_437 : vector<16xi32> to vector<16xi32>
    tpu.vector_store %arg6[%swap3A_438], %swap3A_441 {strides = array<i32>} : memref<256xi32, #tpu.memory_space<vmem>>, vector<16xi32>,
    %get3A_442 = arith.constant 224 : index
    %get3A_443 = tpu.vector_load %arg5[%get3A_442] {strides = array<i32>} : memref<256xi32, #tpu.memory_space<vmem>>, vector<16xi32>,
    %get3A_444 = vector.shape_cast %get3A_443 : vector<16xi32> to vector<16xi32>
    %get3A_445 = arith.constant 240 : index
    %get3A_446 = tpu.vector_load %arg5[%get3A_445] {strides = array<i32>} : memref<256xi32, #tpu.memory_space<vmem>>, vector<16xi32>,
    %get3A_447 = vector.shape_cast %get3A_446 : vector<16xi32> to vector<16xi32>
    %lt3A_448 = arith.constant 0 : i32
    %lt3A_449 = vector.broadcast %lt3A_448 : i32 to vector<16xi32>
    %lt3A_450 = arith.cmpi slt, %select_n3A_22, %lt3A_449 : vector<16xi32>
    %add3A_451 = arith.constant 16 : i32
    %add3A_452 = vector.broadcast %add3A_451 : i32 to vector<16xi32>
    %add3A_453 = arith.addi %select_n3A_22, %add3A_452 : vector<16xi32>
    %select_n3A_454 = arith.select %lt3A_450, %add3A_453, %select_n3A_22 : vector<16xi1>, vector<16xi32>
    %broadcast_in_dim3A_455 = vector.shape_cast %select_n3A_454 : vector<16xi32> to vector<16x1xi32>
    %gather3A_456 = vector.shape_cast %broadcast_in_dim3A_455 : vector<16x1xi32> to vector<16xi32>
    %gather3A_457 = tpu.dynamic_gather %get3A_444[%gather3A_456] in [0] : vector<16xi32>, vector<16xi32> -> vector<16xi32>
    %lt3A_458 = arith.constant 0 : i32
    %lt3A_459 = vector.broadcast %lt3A_458 : i32 to vector<16xi32>
    %lt3A_460 = arith.cmpi slt, %select_n3A_22, %lt3A_459 : vector<16xi32>
    %add3A_461 = arith.constant 16 : i32
    %add3A_462 = vector.broadcast %add3A_461 : i32 to vector<16xi32>
    %add3A_463 = arith.addi %select_n3A_22, %add3A_462 : vector<16xi32>
    %select_n3A_464 = arith.select %lt3A_460, %add3A_463, %select_n3A_22 : vector<16xi1>, vector<16xi32>
    %broadcast_in_dim3A_465 = vector.shape_cast %select_n3A_464 : vector<16xi32> to vector<16x1xi32>
    %gather3A_466 = vector.shape_cast %broadcast_in_dim3A_465 : vector<16x1xi32> to vector<16xi32>
    %gather3A_467 = tpu.dynamic_gather %get3A_447[%gather3A_466] in [0] : vector<16xi32>, vector<16xi32> -> vector<16xi32>
    %select_n3A_468 = arith.select %lt3A_53, %gather3A_457, %gather3A_467 : vector<16xi1>, vector<16xi32>
    %swap3A_469 = arith.constant 224 : index
    %swap3A_470 = tpu.vector_load %arg6[%swap3A_469] {strides = array<i32>} : memref<256xi32, #tpu.memory_space<vmem>>, vector<16xi32>,
    %swap3A_471 = vector.shape_cast %swap3A_470 : vector<16xi32> to vector<16xi32>
    %swap3A_472 = vector.shape_cast %select_n3A_468 : vector<16xi32> to vector<16xi32>
    tpu.vector_store %arg6[%swap3A_469], %swap3A_472 {strides = array<i32>} : memref<256xi32, #tpu.memory_space<vmem>>, vector<16xi32>,
    %lt3A_473 = arith.constant 0 : i32
    %lt3A_474 = vector.broadcast %lt3A_473 : i32 to vector<16xi32>
    %lt3A_475 = arith.cmpi slt, %select_n3A_50, %lt3A_474 : vector<16xi32>
    %add3A_476 = arith.constant 16 : i32
    %add3A_477 = vector.broadcast %add3A_476 : i32 to vector<16xi32>
    %add3A_478 = arith.addi %select_n3A_50, %add3A_477 : vector<16xi32>
    %select_n3A_479 = arith.select %lt3A_475, %add3A_478, %select_n3A_50 : vector<16xi1>, vector<16xi32>
    %broadcast_in_dim3A_480 = vector.shape_cast %select_n3A_479 : vector<16xi32> to vector<16x1xi32>
    %gather3A_481 = vector.shape_cast %broadcast_in_dim3A_480 : vector<16x1xi32> to vector<16xi32>
    %gather3A_482 = tpu.dynamic_gather %get3A_444[%gather3A_481] in [0] : vector<16xi32>, vector<16xi32> -> vector<16xi32>
    %lt3A_483 = arith.constant 0 : i32
    %lt3A_484 = vector.broadcast %lt3A_483 : i32 to vector<16xi32>
    %lt3A_485 = arith.cmpi slt, %select_n3A_50, %lt3A_484 : vector<16xi32>
    %add3A_486 = arith.constant 16 : i32
    %add3A_487 = vector.broadcast %add3A_486 : i32 to vector<16xi32>
    %add3A_488 = arith.addi %select_n3A_50, %add3A_487 : vector<16xi32>
    %select_n3A_489 = arith.select %lt3A_485, %add3A_488, %select_n3A_50 : vector<16xi1>, vector<16xi32>
    %broadcast_in_dim3A_490 = vector.shape_cast %select_n3A_489 : vector<16xi32> to vector<16x1xi32>
    %gather3A_491 = vector.shape_cast %broadcast_in_dim3A_490 : vector<16x1xi32> to vector<16xi32>
    %gather3A_492 = tpu.dynamic_gather %get3A_447[%gather3A_491] in [0] : vector<16xi32>, vector<16xi32> -> vector<16xi32>
    %select_n3A_493 = arith.select %lt3A_53, %gather3A_482, %gather3A_492 : vector<16xi1>, vector<16xi32>
    %swap3A_494 = arith.constant 240 : index
    %swap3A_495 = tpu.vector_load %arg6[%swap3A_494] {strides = array<i32>} : memref<256xi32, #tpu.memory_space<vmem>>, vector<16xi32>,
    %swap3A_496 = vector.shape_cast %swap3A_495 : vector<16xi32> to vector<16xi32>
    %swap3A_497 = vector.shape_cast %select_n3A_493 : vector<16xi32> to vector<16xi32>
    tpu.vector_store %arg6[%swap3A_494], %swap3A_497 {strides = array<i32>} : memref<256xi32, #tpu.memory_space<vmem>>, vector<16xi32>,
    %dma_start3A = arith.constant 0 : i32
    %dma_start3A_498 = arith.constant 0 : i32
    %dma_start3A_499 = arith.constant 0 : i32
    %dma_start3A_500 = tpu.memref_slice %arg7[%dma_start3A, %dma_start3A_498, %dma_start3A_499] : memref<3x32x1024xf32, #tpu.memory_space<vmem>> -> memref<1x32x1024xf32, #tpu.memory_space<vmem>>
    %dma_start3A_501 = tpu.memref_squeeze %dma_start3A_500 : memref<1x32x1024xf32, #tpu.memory_space<vmem>> -> memref<32x1024xf32, #tpu.memory_space<vmem>>
    %dma_start3A_502 = arith.constant 0 : i32
    %dma_start3A_503 = tpu.memref_slice %arg6[%dma_start3A_502] : memref<256xi32, #tpu.memory_space<vmem>> -> memref<32xi32, #tpu.memory_space<vmem>>
    %dma_start3A_504 = arith.constant 0 : i32
    %dma_start3A_505 = arith.constant 0 : i32
    %dma_start3A_506 = tpu.memref_slice %arg2[%dma_start3A_504, %dma_start3A_505] : memref<16384x1024xf32, #tpu.memory_space<hbm>> -> memref<16384x1024xf32, #tpu.memory_space<hbm>>
    tpu.enqueue_indirect_dma source(%dma_start3A_506 : memref<16384x1024xf32, #tpu.memory_space<hbm>>) target(%dma_start3A_501 : memref<32x1024xf32, #tpu.memory_space<vmem>>) offsets(%dma_start3A_503 : memref<32xi32, #tpu.memory_space<vmem>>) semaphore(%arg8 : memref<!tpu.dma_semaphore, #tpu.memory_space<semaphore_mem>>)
    %dma_start3A_507 = arith.constant 1 : i32
    %dma_start3A_508 = arith.constant 0 : i32
    %dma_start3A_509 = arith.constant 0 : i32
    %dma_start3A_510 = tpu.memref_slice %arg7[%dma_start3A_507, %dma_start3A_508, %dma_start3A_509] : memref<3x32x1024xf32, #tpu.memory_space<vmem>> -> memref<1x32x1024xf32, #tpu.memory_space<vmem>>
    %dma_start3A_511 = tpu.memref_squeeze %dma_start3A_510 : memref<1x32x1024xf32, #tpu.memory_space<vmem>> -> memref<32x1024xf32, #tpu.memory_space<vmem>>
    %dma_start3A_512 = arith.constant 32 : i32
    %dma_start3A_513 = tpu.memref_slice %arg6[%dma_start3A_512] : memref<256xi32, #tpu.memory_space<vmem>> -> memref<32xi32, #tpu.memory_space<vmem>>
    %dma_start3A_514 = arith.constant 0 : i32
    %dma_start3A_515 = arith.constant 0 : i32
    %dma_start3A_516 = tpu.memref_slice %arg2[%dma_start3A_514, %dma_start3A_515] : memref<16384x1024xf32, #tpu.memory_space<hbm>> -> memref<16384x1024xf32, #tpu.memory_space<hbm>>
    tpu.enqueue_indirect_dma source(%dma_start3A_516 : memref<16384x1024xf32, #tpu.memory_space<hbm>>) target(%dma_start3A_511 : memref<32x1024xf32, #tpu.memory_space<vmem>>) offsets(%dma_start3A_513 : memref<32xi32, #tpu.memory_space<vmem>>) semaphore(%arg8 : memref<!tpu.dma_semaphore, #tpu.memory_space<semaphore_mem>>)
    %dma_start3A_517 = arith.constant 2 : i32
    %dma_start3A_518 = arith.constant 0 : i32
    %dma_start3A_519 = arith.constant 0 : i32
    %dma_start3A_520 = tpu.memref_slice %arg7[%dma_start3A_517, %dma_start3A_518, %dma_start3A_519] : memref<3x32x1024xf32, #tpu.memory_space<vmem>> -> memref<1x32x1024xf32, #tpu.memory_space<vmem>>
    %dma_start3A_521 = tpu.memref_squeeze %dma_start3A_520 : memref<1x32x1024xf32, #tpu.memory_space<vmem>> -> memref<32x1024xf32, #tpu.memory_space<vmem>>
    %dma_start3A_522 = arith.constant 64 : i32
    %dma_start3A_523 = tpu.memref_slice %arg6[%dma_start3A_522] : memref<256xi32, #tpu.memory_space<vmem>> -> memref<32xi32, #tpu.memory_space<vmem>>
    %dma_start3A_524 = arith.constant 0 : i32
    %dma_start3A_525 = arith.constant 0 : i32
    %dma_start3A_526 = tpu.memref_slice %arg2[%dma_start3A_524, %dma_start3A_525] : memref<16384x1024xf32, #tpu.memory_space<hbm>> -> memref<16384x1024xf32, #tpu.memory_space<hbm>>
    tpu.enqueue_indirect_dma source(%dma_start3A_526 : memref<16384x1024xf32, #tpu.memory_space<hbm>>) target(%dma_start3A_521 : memref<32x1024xf32, #tpu.memory_space<vmem>>) offsets(%dma_start3A_523 : memref<32xi32, #tpu.memory_space<vmem>>) semaphore(%arg8 : memref<!tpu.dma_semaphore, #tpu.memory_space<semaphore_mem>>)
    %dma_wait3A = arith.constant 0 : i32
    %dma_wait3A_527 = arith.constant 0 : i32
    %dma_wait3A_528 = arith.constant 0 : i32
    %dma_wait3A_529 = tpu.memref_slice %arg7[%dma_wait3A, %dma_wait3A_527, %dma_wait3A_528] : memref<3x32x1024xf32, #tpu.memory_space<vmem>> -> memref<1x32x1024xf32, #tpu.memory_space<vmem>>
    %dma_wait3A_530 = tpu.memref_squeeze %dma_wait3A_529 : memref<1x32x1024xf32, #tpu.memory_space<vmem>> -> memref<32x1024xf32, #tpu.memory_space<vmem>>
    %dma_wait3A_531 = arith.constant 0 : i32
    %dma_wait3A_532 = tpu.memref_slice %arg6[%dma_wait3A_531] : memref<256xi32, #tpu.memory_space<vmem>> -> memref<32xi32, #tpu.memory_space<vmem>>
    %dma_wait3A_533 = arith.constant 0 : i32
    %dma_wait3A_534 = arith.constant 0 : i32
    %dma_wait3A_535 = tpu.memref_slice %arg2[%dma_wait3A_533, %dma_wait3A_534] : memref<16384x1024xf32, #tpu.memory_space<hbm>> -> memref<16384x1024xf32, #tpu.memory_space<hbm>>
    tpu.wait_indirect_dma semaphore(%arg8 : memref<!tpu.dma_semaphore, #tpu.memory_space<semaphore_mem>>) src(%dma_wait3A_535 : memref<16384x1024xf32, #tpu.memory_space<hbm>>) dst(%dma_wait3A_530 : memref<32x1024xf32, #tpu.memory_space<vmem>>)
    %add3A_536 = arith.constant 0 : i32
    %add3A_537 = arith.addi %mul3A_2, %add3A_536 : i32
    %dma_start3A_538 = arith.constant 0 : i32
    %dma_start3A_539 = arith.constant 0 : i32
    %dma_start3A_540 = arith.constant 0 : i32
    %dma_start3A_541 = tpu.memref_slice %arg7[%dma_start3A_538, %dma_start3A_539, %dma_start3A_540] : memref<3x32x1024xf32, #tpu.memory_space<vmem>> -> memref<1x16x1024xf32, #tpu.memory_space<vmem>>
    %dma_start3A_542 = tpu.memref_squeeze %dma_start3A_541 : memref<1x16x1024xf32, #tpu.memory_space<vmem>> -> memref<16x1024xf32, #tpu.memory_space<vmem>>
    %dma_start3A_543 = arith.constant 0 : i32
    %dma_start3A_544 = tpu.memref_slice %arg4[%add3A_537, %dma_start3A_543] : memref<4096x2048xf32, #tpu.memory_space<hbm>> -> memref<16x1024xf32, #tpu.memory_space<hbm>>
    %dma_start3A_545 = arith.constant 0 : i32
    %dma_start3A_546 = tpu.memref_slice %arg4[%add3A_537, %dma_start3A_545] : memref<4096x2048xf32, #tpu.memory_space<hbm>> -> memref<16x1024xf32, #tpu.memory_space<hbm>>
    %dma_start3A_547 = arith.constant 0 : i32
    %dma_start3A_548 = arith.constant 0 : i32
    %dma_start3A_549 = tpu.memref_slice %arg7[%dma_start3A_538, %dma_start3A_547, %dma_start3A_548] : memref<3x32x1024xf32, #tpu.memory_space<vmem>> -> memref<1x16x1024xf32, #tpu.memory_space<vmem>>
    %dma_start3A_550 = tpu.memref_squeeze %dma_start3A_549 : memref<1x16x1024xf32, #tpu.memory_space<vmem>> -> memref<16x1024xf32, #tpu.memory_space<vmem>>
    tpu.enqueue_dma source(%dma_start3A_550 : memref<16x1024xf32, #tpu.memory_space<vmem>>) target(%dma_start3A_546 : memref<16x1024xf32, #tpu.memory_space<hbm>>) target_semaphore(%arg9 : memref<!tpu.dma_semaphore, #tpu.memory_space<semaphore_mem>>)
    %dma_start3A_551 = arith.constant 0 : i32
    %dma_start3A_552 = arith.constant 16 : i32
    %dma_start3A_553 = arith.constant 0 : i32
    %dma_start3A_554 = tpu.memref_slice %arg7[%dma_start3A_551, %dma_start3A_552, %dma_start3A_553] : memref<3x32x1024xf32, #tpu.memory_space<vmem>> -> memref<1x16x1024xf32, #tpu.memory_space<vmem>>
    %dma_start3A_555 = tpu.memref_squeeze %dma_start3A_554 : memref<1x16x1024xf32, #tpu.memory_space<vmem>> -> memref<16x1024xf32, #tpu.memory_space<vmem>>
    %dma_start3A_556 = arith.constant 1024 : i32
    %dma_start3A_557 = tpu.memref_slice %arg4[%add3A_537, %dma_start3A_556] : memref<4096x2048xf32, #tpu.memory_space<hbm>> -> memref<16x1024xf32, #tpu.memory_space<hbm>>
    %dma_start3A_558 = arith.constant 1024 : i32
    %dma_start3A_559 = tpu.memref_slice %arg4[%add3A_537, %dma_start3A_558] : memref<4096x2048xf32, #tpu.memory_space<hbm>> -> memref<16x1024xf32, #tpu.memory_space<hbm>>
    %dma_start3A_560 = arith.constant 16 : i32
    %dma_start3A_561 = arith.constant 0 : i32
    %dma_start3A_562 = tpu.memref_slice %arg7[%dma_start3A_551, %dma_start3A_560, %dma_start3A_561] : memref<3x32x1024xf32, #tpu.memory_space<vmem>> -> memref<1x16x1024xf32, #tpu.memory_space<vmem>>
    %dma_start3A_563 = tpu.memref_squeeze %dma_start3A_562 : memref<1x16x1024xf32, #tpu.memory_space<vmem>> -> memref<16x1024xf32, #tpu.memory_space<vmem>>
    tpu.enqueue_dma source(%dma_start3A_563 : memref<16x1024xf32, #tpu.memory_space<vmem>>) target(%dma_start3A_559 : memref<16x1024xf32, #tpu.memory_space<hbm>>) target_semaphore(%arg9 : memref<!tpu.dma_semaphore, #tpu.memory_space<semaphore_mem>>)
    %dma_wait3A_564 = arith.constant 0 : i32
    %dma_wait3A_565 = arith.constant 0 : i32
    %dma_wait3A_566 = arith.constant 0 : i32
    %dma_wait3A_567 = tpu.memref_slice %arg7[%dma_wait3A_564, %dma_wait3A_565, %dma_wait3A_566] : memref<3x32x1024xf32, #tpu.memory_space<vmem>> -> memref<1x16x1024xf32, #tpu.memory_space<vmem>>
    %dma_wait3A_568 = tpu.memref_squeeze %dma_wait3A_567 : memref<1x16x1024xf32, #tpu.memory_space<vmem>> -> memref<16x1024xf32, #tpu.memory_space<vmem>>
    %dma_wait3A_569 = arith.constant 0 : i32
    %dma_wait3A_570 = tpu.memref_slice %arg4[%add3A_537, %dma_wait3A_569] : memref<4096x2048xf32, #tpu.memory_space<hbm>> -> memref<16x1024xf32, #tpu.memory_space<hbm>>
    %dma_wait3A_571 = arith.constant 0 : i32
    %dma_wait3A_572 = tpu.memref_slice %arg4[%add3A_537, %dma_wait3A_571] : memref<4096x2048xf32, #tpu.memory_space<hbm>> -> memref<16x1024xf32, #tpu.memory_space<hbm>>
    %dma_wait3A_573 = arith.constant 0 : i32
    %dma_wait3A_574 = arith.constant 0 : i32
    %dma_wait3A_575 = tpu.memref_slice %arg7[%dma_wait3A_564, %dma_wait3A_573, %dma_wait3A_574] : memref<3x32x1024xf32, #tpu.memory_space<vmem>> -> memref<1x16x1024xf32, #tpu.memory_space<vmem>>
    %dma_wait3A_576 = tpu.memref_squeeze %dma_wait3A_575 : memref<1x16x1024xf32, #tpu.memory_space<vmem>> -> memref<16x1024xf32, #tpu.memory_space<vmem>>
    tpu.wait_dma2 semaphore(%arg9 : memref<!tpu.dma_semaphore, #tpu.memory_space<semaphore_mem>>) src(%dma_wait3A_576 : memref<16x1024xf32, #tpu.memory_space<vmem>>) dst(%dma_wait3A_572 : memref<16x1024xf32, #tpu.memory_space<hbm>>)
    %dma_wait3A_577 = arith.constant 0 : i32
    %dma_wait3A_578 = arith.constant 16 : i32
    %dma_wait3A_579 = arith.constant 0 : i32
    %dma_wait3A_580 = tpu.memref_slice %arg7[%dma_wait3A_577, %dma_wait3A_578, %dma_wait3A_579] : memref<3x32x1024xf32, #tpu.memory_space<vmem>> -> memref<1x16x1024xf32, #tpu.memory_space<vmem>>
    %dma_wait3A_581 = tpu.memref_squeeze %dma_wait3A_580 : memref<1x16x1024xf32, #tpu.memory_space<vmem>> -> memref<16x1024xf32, #tpu.memory_space<vmem>>
    %dma_wait3A_582 = arith.constant 1024 : i32
    %dma_wait3A_583 = tpu.memref_slice %arg4[%add3A_537, %dma_wait3A_582] : memref<4096x2048xf32, #tpu.memory_space<hbm>> -> memref<16x1024xf32, #tpu.memory_space<hbm>>
    %dma_wait3A_584 = arith.constant 1024 : i32
    %dma_wait3A_585 = tpu.memref_slice %arg4[%add3A_537, %dma_wait3A_584] : memref<4096x2048xf32, #tpu.memory_space<hbm>> -> memref<16x1024xf32, #tpu.memory_space<hbm>>
    %dma_wait3A_586 = arith.constant 16 : i32
    %dma_wait3A_587 = arith.constant 0 : i32
    %dma_wait3A_588 = tpu.memref_slice %arg7[%dma_wait3A_577, %dma_wait3A_586, %dma_wait3A_587] : memref<3x32x1024xf32, #tpu.memory_space<vmem>> -> memref<1x16x1024xf32, #tpu.memory_space<vmem>>
    %dma_wait3A_589 = tpu.memref_squeeze %dma_wait3A_588 : memref<1x16x1024xf32, #tpu.memory_space<vmem>> -> memref<16x1024xf32, #tpu.memory_space<vmem>>
    tpu.wait_dma2 semaphore(%arg9 : memref<!tpu.dma_semaphore, #tpu.memory_space<semaphore_mem>>) src(%dma_wait3A_589 : memref<16x1024xf32, #tpu.memory_space<vmem>>) dst(%dma_wait3A_585 : memref<16x1024xf32, #tpu.memory_space<hbm>>)
    %dma_start3A_590 = arith.constant 0 : i32
    %dma_start3A_591 = arith.constant 0 : i32
    %dma_start3A_592 = arith.constant 0 : i32
    %dma_start3A_593 = tpu.memref_slice %arg7[%dma_start3A_590, %dma_start3A_591, %dma_start3A_592] : memref<3x32x1024xf32, #tpu.memory_space<vmem>> -> memref<1x32x1024xf32, #tpu.memory_space<vmem>>
    %dma_start3A_594 = tpu.memref_squeeze %dma_start3A_593 : memref<1x32x1024xf32, #tpu.memory_space<vmem>> -> memref<32x1024xf32, #tpu.memory_space<vmem>>
    %dma_start3A_595 = arith.constant 96 : i32
    %dma_start3A_596 = tpu.memref_slice %arg6[%dma_start3A_595] : memref<256xi32, #tpu.memory_space<vmem>> -> memref<32xi32, #tpu.memory_space<vmem>>
    %dma_start3A_597 = arith.constant 0 : i32
    %dma_start3A_598 = arith.constant 0 : i32
    %dma_start3A_599 = tpu.memref_slice %arg2[%dma_start3A_597, %dma_start3A_598] : memref<16384x1024xf32, #tpu.memory_space<hbm>> -> memref<16384x1024xf32, #tpu.memory_space<hbm>>
    tpu.enqueue_indirect_dma source(%dma_start3A_599 : memref<16384x1024xf32, #tpu.memory_space<hbm>>) target(%dma_start3A_594 : memref<32x1024xf32, #tpu.memory_space<vmem>>) offsets(%dma_start3A_596 : memref<32xi32, #tpu.memory_space<vmem>>) semaphore(%arg8 : memref<!tpu.dma_semaphore, #tpu.memory_space<semaphore_mem>>)
    %dma_wait3A_600 = arith.constant 1 : i32
    %dma_wait3A_601 = arith.constant 0 : i32
    %dma_wait3A_602 = arith.constant 0 : i32
    %dma_wait3A_603 = tpu.memref_slice %arg7[%dma_wait3A_600, %dma_wait3A_601, %dma_wait3A_602] : memref<3x32x1024xf32, #tpu.memory_space<vmem>> -> memref<1x32x1024xf32, #tpu.memory_space<vmem>>
    %dma_wait3A_604 = tpu.memref_squeeze %dma_wait3A_603 : memref<1x32x1024xf32, #tpu.memory_space<vmem>> -> memref<32x1024xf32, #tpu.memory_space<vmem>>
    %dma_wait3A_605 = arith.constant 32 : i32
    %dma_wait3A_606 = tpu.memref_slice %arg6[%dma_wait3A_605] : memref<256xi32, #tpu.memory_space<vmem>> -> memref<32xi32, #tpu.memory_space<vmem>>
    %dma_wait3A_607 = arith.constant 0 : i32
    %dma_wait3A_608 = arith.constant 0 : i32
    %dma_wait3A_609 = tpu.memref_slice %arg2[%dma_wait3A_607, %dma_wait3A_608] : memref<16384x1024xf32, #tpu.memory_space<hbm>> -> memref<16384x1024xf32, #tpu.memory_space<hbm>>
    tpu.wait_indirect_dma semaphore(%arg8 : memref<!tpu.dma_semaphore, #tpu.memory_space<semaphore_mem>>) src(%dma_wait3A_609 : memref<16384x1024xf32, #tpu.memory_space<hbm>>) dst(%dma_wait3A_604 : memref<32x1024xf32, #tpu.memory_space<vmem>>)
    %add3A_610 = arith.constant 16 : i32
    %add3A_611 = arith.addi %mul3A_2, %add3A_610 : i32
    %dma_start3A_612 = arith.constant 1 : i32
    %dma_start3A_613 = arith.constant 0 : i32
    %dma_start3A_614 = arith.constant 0 : i32
    %dma_start3A_615 = tpu.memref_slice %arg7[%dma_start3A_612, %dma_start3A_613, %dma_start3A_614] : memref<3x32x1024xf32, #tpu.memory_space<vmem>> -> memref<1x16x1024xf32, #tpu.memory_space<vmem>>
    %dma_start3A_616 = tpu.memref_squeeze %dma_start3A_615 : memref<1x16x1024xf32, #tpu.memory_space<vmem>> -> memref<16x1024xf32, #tpu.memory_space<vmem>>
    %dma_start3A_617 = arith.constant 0 : i32
    %dma_start3A_618 = tpu.memref_slice %arg4[%add3A_611, %dma_start3A_617] : memref<4096x2048xf32, #tpu.memory_space<hbm>> -> memref<16x1024xf32, #tpu.memory_space<hbm>>
    %dma_start3A_619 = arith.constant 0 : i32
    %dma_start3A_620 = tpu.memref_slice %arg4[%add3A_611, %dma_start3A_619] : memref<4096x2048xf32, #tpu.memory_space<hbm>> -> memref<16x1024xf32, #tpu.memory_space<hbm>>
    %dma_start3A_621 = arith.constant 0 : i32
    %dma_start3A_622 = arith.constant 0 : i32
    %dma_start3A_623 = tpu.memref_slice %arg7[%dma_start3A_612, %dma_start3A_621, %dma_start3A_622] : memref<3x32x1024xf32, #tpu.memory_space<vmem>> -> memref<1x16x1024xf32, #tpu.memory_space<vmem>>
    %dma_start3A_624 = tpu.memref_squeeze %dma_start3A_623 : memref<1x16x1024xf32, #tpu.memory_space<vmem>> -> memref<16x1024xf32, #tpu.memory_space<vmem>>
    tpu.enqueue_dma source(%dma_start3A_624 : memref<16x1024xf32, #tpu.memory_space<vmem>>) target(%dma_start3A_620 : memref<16x1024xf32, #tpu.memory_space<hbm>>) target_semaphore(%arg9 : memref<!tpu.dma_semaphore, #tpu.memory_space<semaphore_mem>>)
    %dma_start3A_625 = arith.constant 1 : i32
    %dma_start3A_626 = arith.constant 16 : i32
    %dma_start3A_627 = arith.constant 0 : i32
    %dma_start3A_628 = tpu.memref_slice %arg7[%dma_start3A_625, %dma_start3A_626, %dma_start3A_627] : memref<3x32x1024xf32, #tpu.memory_space<vmem>> -> memref<1x16x1024xf32, #tpu.memory_space<vmem>>
    %dma_start3A_629 = tpu.memref_squeeze %dma_start3A_628 : memref<1x16x1024xf32, #tpu.memory_space<vmem>> -> memref<16x1024xf32, #tpu.memory_space<vmem>>
    %dma_start3A_630 = arith.constant 1024 : i32
    %dma_start3A_631 = tpu.memref_slice %arg4[%add3A_611, %dma_start3A_630] : memref<4096x2048xf32, #tpu.memory_space<hbm>> -> memref<16x1024xf32, #tpu.memory_space<hbm>>
    %dma_start3A_632 = arith.constant 1024 : i32
    %dma_start3A_633 = tpu.memref_slice %arg4[%add3A_611, %dma_start3A_632] : memref<4096x2048xf32, #tpu.memory_space<hbm>> -> memref<16x1024xf32, #tpu.memory_space<hbm>>
    %dma_start3A_634 = arith.constant 16 : i32
    %dma_start3A_635 = arith.constant 0 : i32
    %dma_start3A_636 = tpu.memref_slice %arg7[%dma_start3A_625, %dma_start3A_634, %dma_start3A_635] : memref<3x32x1024xf32, #tpu.memory_space<vmem>> -> memref<1x16x1024xf32, #tpu.memory_space<vmem>>
    %dma_start3A_637 = tpu.memref_squeeze %dma_start3A_636 : memref<1x16x1024xf32, #tpu.memory_space<vmem>> -> memref<16x1024xf32, #tpu.memory_space<vmem>>
    tpu.enqueue_dma source(%dma_start3A_637 : memref<16x1024xf32, #tpu.memory_space<vmem>>) target(%dma_start3A_633 : memref<16x1024xf32, #tpu.memory_space<hbm>>) target_semaphore(%arg9 : memref<!tpu.dma_semaphore, #tpu.memory_space<semaphore_mem>>)
    %dma_wait3A_638 = arith.constant 1 : i32
    %dma_wait3A_639 = arith.constant 0 : i32
    %dma_wait3A_640 = arith.constant 0 : i32
    %dma_wait3A_641 = tpu.memref_slice %arg7[%dma_wait3A_638, %dma_wait3A_639, %dma_wait3A_640] : memref<3x32x1024xf32, #tpu.memory_space<vmem>> -> memref<1x16x1024xf32, #tpu.memory_space<vmem>>
    %dma_wait3A_642 = tpu.memref_squeeze %dma_wait3A_641 : memref<1x16x1024xf32, #tpu.memory_space<vmem>> -> memref<16x1024xf32, #tpu.memory_space<vmem>>
    %dma_wait3A_643 = arith.constant 0 : i32
    %dma_wait3A_644 = tpu.memref_slice %arg4[%add3A_611, %dma_wait3A_643] : memref<4096x2048xf32, #tpu.memory_space<hbm>> -> memref<16x1024xf32, #tpu.memory_space<hbm>>
    %dma_wait3A_645 = arith.constant 0 : i32
    %dma_wait3A_646 = tpu.memref_slice %arg4[%add3A_611, %dma_wait3A_645] : memref<4096x2048xf32, #tpu.memory_space<hbm>> -> memref<16x1024xf32, #tpu.memory_space<hbm>>
    %dma_wait3A_647 = arith.constant 0 : i32
    %dma_wait3A_648 = arith.constant 0 : i32
    %dma_wait3A_649 = tpu.memref_slice %arg7[%dma_wait3A_638, %dma_wait3A_647, %dma_wait3A_648] : memref<3x32x1024xf32, #tpu.memory_space<vmem>> -> memref<1x16x1024xf32, #tpu.memory_space<vmem>>
    %dma_wait3A_650 = tpu.memref_squeeze %dma_wait3A_649 : memref<1x16x1024xf32, #tpu.memory_space<vmem>> -> memref<16x1024xf32, #tpu.memory_space<vmem>>
    tpu.wait_dma2 semaphore(%arg9 : memref<!tpu.dma_semaphore, #tpu.memory_space<semaphore_mem>>) src(%dma_wait3A_650 : memref<16x1024xf32, #tpu.memory_space<vmem>>) dst(%dma_wait3A_646 : memref<16x1024xf32, #tpu.memory_space<hbm>>)
    %dma_wait3A_651 = arith.constant 1 : i32
    %dma_wait3A_652 = arith.constant 16 : i32
    %dma_wait3A_653 = arith.constant 0 : i32
    %dma_wait3A_654 = tpu.memref_slice %arg7[%dma_wait3A_651, %dma_wait3A_652, %dma_wait3A_653] : memref<3x32x1024xf32, #tpu.memory_space<vmem>> -> memref<1x16x1024xf32, #tpu.memory_space<vmem>>
    %dma_wait3A_655 = tpu.memref_squeeze %dma_wait3A_654 : memref<1x16x1024xf32, #tpu.memory_space<vmem>> -> memref<16x1024xf32, #tpu.memory_space<vmem>>
    %dma_wait3A_656 = arith.constant 1024 : i32
    %dma_wait3A_657 = tpu.memref_slice %arg4[%add3A_611, %dma_wait3A_656] : memref<4096x2048xf32, #tpu.memory_space<hbm>> -> memref<16x1024xf32, #tpu.memory_space<hbm>>
    %dma_wait3A_658 = arith.constant 1024 : i32
    %dma_wait3A_659 = tpu.memref_slice %arg4[%add3A_611, %dma_wait3A_658] : memref<4096x2048xf32, #tpu.memory_space<hbm>> -> memref<16x1024xf32, #tpu.memory_space<hbm>>
    %dma_wait3A_660 = arith.constant 16 : i32
    %dma_wait3A_661 = arith.constant 0 : i32
    %dma_wait3A_662 = tpu.memref_slice %arg7[%dma_wait3A_651, %dma_wait3A_660, %dma_wait3A_661] : memref<3x32x1024xf32, #tpu.memory_space<vmem>> -> memref<1x16x1024xf32, #tpu.memory_space<vmem>>
    %dma_wait3A_663 = tpu.memref_squeeze %dma_wait3A_662 : memref<1x16x1024xf32, #tpu.memory_space<vmem>> -> memref<16x1024xf32, #tpu.memory_space<vmem>>
    tpu.wait_dma2 semaphore(%arg9 : memref<!tpu.dma_semaphore, #tpu.memory_space<semaphore_mem>>) src(%dma_wait3A_663 : memref<16x1024xf32, #tpu.memory_space<vmem>>) dst(%dma_wait3A_659 : memref<16x1024xf32, #tpu.memory_space<hbm>>)
    %dma_start3A_664 = arith.constant 1 : i32
    %dma_start3A_665 = arith.constant 0 : i32
    %dma_start3A_666 = arith.constant 0 : i32
    %dma_start3A_667 = tpu.memref_slice %arg7[%dma_start3A_664, %dma_start3A_665, %dma_start3A_666] : memref<3x32x1024xf32, #tpu.memory_space<vmem>> -> memref<1x32x1024xf32, #tpu.memory_space<vmem>>
    %dma_start3A_668 = tpu.memref_squeeze %dma_start3A_667 : memref<1x32x1024xf32, #tpu.memory_space<vmem>> -> memref<32x1024xf32, #tpu.memory_space<vmem>>
    %dma_start3A_669 = arith.constant 128 : i32
    %dma_start3A_670 = tpu.memref_slice %arg6[%dma_start3A_669] : memref<256xi32, #tpu.memory_space<vmem>> -> memref<32xi32, #tpu.memory_space<vmem>>
    %dma_start3A_671 = arith.constant 0 : i32
    %dma_start3A_672 = arith.constant 0 : i32
    %dma_start3A_673 = tpu.memref_slice %arg2[%dma_start3A_671, %dma_start3A_672] : memref<16384x1024xf32, #tpu.memory_space<hbm>> -> memref<16384x1024xf32, #tpu.memory_space<hbm>>
    tpu.enqueue_indirect_dma source(%dma_start3A_673 : memref<16384x1024xf32, #tpu.memory_space<hbm>>) target(%dma_start3A_668 : memref<32x1024xf32, #tpu.memory_space<vmem>>) offsets(%dma_start3A_670 : memref<32xi32, #tpu.memory_space<vmem>>) semaphore(%arg8 : memref<!tpu.dma_semaphore, #tpu.memory_space<semaphore_mem>>)
    %dma_wait3A_674 = arith.constant 2 : i32
    %dma_wait3A_675 = arith.constant 0 : i32
    %dma_wait3A_676 = arith.constant 0 : i32
    %dma_wait3A_677 = tpu.memref_slice %arg7[%dma_wait3A_674, %dma_wait3A_675, %dma_wait3A_676] : memref<3x32x1024xf32, #tpu.memory_space<vmem>> -> memref<1x32x1024xf32, #tpu.memory_space<vmem>>
    %dma_wait3A_678 = tpu.memref_squeeze %dma_wait3A_677 : memref<1x32x1024xf32, #tpu.memory_space<vmem>> -> memref<32x1024xf32, #tpu.memory_space<vmem>>
    %dma_wait3A_679 = arith.constant 64 : i32
    %dma_wait3A_680 = tpu.memref_slice %arg6[%dma_wait3A_679] : memref<256xi32, #tpu.memory_space<vmem>> -> memref<32xi32, #tpu.memory_space<vmem>>
    %dma_wait3A_681 = arith.constant 0 : i32
    %dma_wait3A_682 = arith.constant 0 : i32
    %dma_wait3A_683 = tpu.memref_slice %arg2[%dma_wait3A_681, %dma_wait3A_682] : memref<16384x1024xf32, #tpu.memory_space<hbm>> -> memref<16384x1024xf32, #tpu.memory_space<hbm>>
    tpu.wait_indirect_dma semaphore(%arg8 : memref<!tpu.dma_semaphore, #tpu.memory_space<semaphore_mem>>) src(%dma_wait3A_683 : memref<16384x1024xf32, #tpu.memory_space<hbm>>) dst(%dma_wait3A_678 : memref<32x1024xf32, #tpu.memory_space<vmem>>)
    %add3A_684 = arith.constant 32 : i32
    %add3A_685 = arith.addi %mul3A_2, %add3A_684 : i32
    %dma_start3A_686 = arith.constant 2 : i32
    %dma_start3A_687 = arith.constant 0 : i32
    %dma_start3A_688 = arith.constant 0 : i32
    %dma_start3A_689 = tpu.memref_slice %arg7[%dma_start3A_686, %dma_start3A_687, %dma_start3A_688] : memref<3x32x1024xf32, #tpu.memory_space<vmem>> -> memref<1x16x1024xf32, #tpu.memory_space<vmem>>
    %dma_start3A_690 = tpu.memref_squeeze %dma_start3A_689 : memref<1x16x1024xf32, #tpu.memory_space<vmem>> -> memref<16x1024xf32, #tpu.memory_space<vmem>>
    %dma_start3A_691 = arith.constant 0 : i32
    %dma_start3A_692 = tpu.memref_slice %arg4[%add3A_685, %dma_start3A_691] : memref<4096x2048xf32, #tpu.memory_space<hbm>> -> memref<16x1024xf32, #tpu.memory_space<hbm>>
    %dma_start3A_693 = arith.constant 0 : i32
    %dma_start3A_694 = tpu.memref_slice %arg4[%add3A_685, %dma_start3A_693] : memref<4096x2048xf32, #tpu.memory_space<hbm>> -> memref<16x1024xf32, #tpu.memory_space<hbm>>
    %dma_start3A_695 = arith.constant 0 : i32
    %dma_start3A_696 = arith.constant 0 : i32
    %dma_start3A_697 = tpu.memref_slice %arg7[%dma_start3A_686, %dma_start3A_695, %dma_start3A_696] : memref<3x32x1024xf32, #tpu.memory_space<vmem>> -> memref<1x16x1024xf32, #tpu.memory_space<vmem>>
    %dma_start3A_698 = tpu.memref_squeeze %dma_start3A_697 : memref<1x16x1024xf32, #tpu.memory_space<vmem>> -> memref<16x1024xf32, #tpu.memory_space<vmem>>
    tpu.enqueue_dma source(%dma_start3A_698 : memref<16x1024xf32, #tpu.memory_space<vmem>>) target(%dma_start3A_694 : memref<16x1024xf32, #tpu.memory_space<hbm>>) target_semaphore(%arg9 : memref<!tpu.dma_semaphore, #tpu.memory_space<semaphore_mem>>)
    %dma_start3A_699 = arith.constant 2 : i32
    %dma_start3A_700 = arith.constant 16 : i32
    %dma_start3A_701 = arith.constant 0 : i32
    %dma_start3A_702 = tpu.memref_slice %arg7[%dma_start3A_699, %dma_start3A_700, %dma_start3A_701] : memref<3x32x1024xf32, #tpu.memory_space<vmem>> -> memref<1x16x1024xf32, #tpu.memory_space<vmem>>
    %dma_start3A_703 = tpu.memref_squeeze %dma_start3A_702 : memref<1x16x1024xf32, #tpu.memory_space<vmem>> -> memref<16x1024xf32, #tpu.memory_space<vmem>>
    %dma_start3A_704 = arith.constant 1024 : i32
    %dma_start3A_705 = tpu.memref_slice %arg4[%add3A_685, %dma_start3A_704] : memref<4096x2048xf32, #tpu.memory_space<hbm>> -> memref<16x1024xf32, #tpu.memory_space<hbm>>
    %dma_start3A_706 = arith.constant 1024 : i32
    %dma_start3A_707 = tpu.memref_slice %arg4[%add3A_685, %dma_start3A_706] : memref<4096x2048xf32, #tpu.memory_space<hbm>> -> memref<16x1024xf32, #tpu.memory_space<hbm>>
    %dma_start3A_708 = arith.constant 16 : i32
    %dma_start3A_709 = arith.constant 0 : i32
    %dma_start3A_710 = tpu.memref_slice %arg7[%dma_start3A_699, %dma_start3A_708, %dma_start3A_709] : memref<3x32x1024xf32, #tpu.memory_space<vmem>> -> memref<1x16x1024xf32, #tpu.memory_space<vmem>>
    %dma_start3A_711 = tpu.memref_squeeze %dma_start3A_710 : memref<1x16x1024xf32, #tpu.memory_space<vmem>> -> memref<16x1024xf32, #tpu.memory_space<vmem>>
    tpu.enqueue_dma source(%dma_start3A_711 : memref<16x1024xf32, #tpu.memory_space<vmem>>) target(%dma_start3A_707 : memref<16x1024xf32, #tpu.memory_space<hbm>>) target_semaphore(%arg9 : memref<!tpu.dma_semaphore, #tpu.memory_space<semaphore_mem>>)
    %dma_wait3A_712 = arith.constant 2 : i32
    %dma_wait3A_713 = arith.constant 0 : i32
    %dma_wait3A_714 = arith.constant 0 : i32
    %dma_wait3A_715 = tpu.memref_slice %arg7[%dma_wait3A_712, %dma_wait3A_713, %dma_wait3A_714] : memref<3x32x1024xf32, #tpu.memory_space<vmem>> -> memref<1x16x1024xf32, #tpu.memory_space<vmem>>
    %dma_wait3A_716 = tpu.memref_squeeze %dma_wait3A_715 : memref<1x16x1024xf32, #tpu.memory_space<vmem>> -> memref<16x1024xf32, #tpu.memory_space<vmem>>
    %dma_wait3A_717 = arith.constant 0 : i32
    %dma_wait3A_718 = tpu.memref_slice %arg4[%add3A_685, %dma_wait3A_717] : memref<4096x2048xf32, #tpu.memory_space<hbm>> -> memref<16x1024xf32, #tpu.memory_space<hbm>>
    %dma_wait3A_719 = arith.constant 0 : i32
    %dma_wait3A_720 = tpu.memref_slice %arg4[%add3A_685, %dma_wait3A_719] : memref<4096x2048xf32, #tpu.memory_space<hbm>> -> memref<16x1024xf32, #tpu.memory_space<hbm>>
    %dma_wait3A_721 = arith.constant 0 : i32
    %dma_wait3A_722 = arith.constant 0 : i32
    %dma_wait3A_723 = tpu.memref_slice %arg7[%dma_wait3A_712, %dma_wait3A_721, %dma_wait3A_722] : memref<3x32x1024xf32, #tpu.memory_space<vmem>> -> memref<1x16x1024xf32, #tpu.memory_space<vmem>>
    %dma_wait3A_724 = tpu.memref_squeeze %dma_wait3A_723 : memref<1x16x1024xf32, #tpu.memory_space<vmem>> -> memref<16x1024xf32, #tpu.memory_space<vmem>>
    tpu.wait_dma2 semaphore(%arg9 : memref<!tpu.dma_semaphore, #tpu.memory_space<semaphore_mem>>) src(%dma_wait3A_724 : memref<16x1024xf32, #tpu.memory_space<vmem>>) dst(%dma_wait3A_720 : memref<16x1024xf32, #tpu.memory_space<hbm>>)
    %dma_wait3A_725 = arith.constant 2 : i32
    %dma_wait3A_726 = arith.constant 16 : i32
    %dma_wait3A_727 = arith.constant 0 : i32
    %dma_wait3A_728 = tpu.memref_slice %arg7[%dma_wait3A_725, %dma_wait3A_726, %dma_wait3A_727] : memref<3x32x1024xf32, #tpu.memory_space<vmem>> -> memref<1x16x1024xf32, #tpu.memory_space<vmem>>
    %dma_wait3A_729 = tpu.memref_squeeze %dma_wait3A_728 : memref<1x16x1024xf32, #tpu.memory_space<vmem>> -> memref<16x1024xf32, #tpu.memory_space<vmem>>
    %dma_wait3A_730 = arith.constant 1024 : i32
    %dma_wait3A_731 = tpu.memref_slice %arg4[%add3A_685, %dma_wait3A_730] : memref<4096x2048xf32, #tpu.memory_space<hbm>> -> memref<16x1024xf32, #tpu.memory_space<hbm>>
    %dma_wait3A_732 = arith.constant 1024 : i32
    %dma_wait3A_733 = tpu.memref_slice %arg4[%add3A_685, %dma_wait3A_732] : memref<4096x2048xf32, #tpu.memory_space<hbm>> -> memref<16x1024xf32, #tpu.memory_space<hbm>>
    %dma_wait3A_734 = arith.constant 16 : i32
    %dma_wait3A_735 = arith.constant 0 : i32
    %dma_wait3A_736 = tpu.memref_slice %arg7[%dma_wait3A_725, %dma_wait3A_734, %dma_wait3A_735] : memref<3x32x1024xf32, #tpu.memory_space<vmem>> -> memref<1x16x1024xf32, #tpu.memory_space<vmem>>
    %dma_wait3A_737 = tpu.memref_squeeze %dma_wait3A_736 : memref<1x16x1024xf32, #tpu.memory_space<vmem>> -> memref<16x1024xf32, #tpu.memory_space<vmem>>
    tpu.wait_dma2 semaphore(%arg9 : memref<!tpu.dma_semaphore, #tpu.memory_space<semaphore_mem>>) src(%dma_wait3A_737 : memref<16x1024xf32, #tpu.memory_space<vmem>>) dst(%dma_wait3A_733 : memref<16x1024xf32, #tpu.memory_space<hbm>>)
    %dma_start3A_738 = arith.constant 2 : i32
    %dma_start3A_739 = arith.constant 0 : i32
    %dma_start3A_740 = arith.constant 0 : i32
    %dma_start3A_741 = tpu.memref_slice %arg7[%dma_start3A_738, %dma_start3A_739, %dma_start3A_740] : memref<3x32x1024xf32, #tpu.memory_space<vmem>> -> memref<1x32x1024xf32, #tpu.memory_space<vmem>>
    %dma_start3A_742 = tpu.memref_squeeze %dma_start3A_741 : memref<1x32x1024xf32, #tpu.memory_space<vmem>> -> memref<32x1024xf32, #tpu.memory_space<vmem>>
    %dma_start3A_743 = arith.constant 160 : i32
    %dma_start3A_744 = tpu.memref_slice %arg6[%dma_start3A_743] : memref<256xi32, #tpu.memory_space<vmem>> -> memref<32xi32, #tpu.memory_space<vmem>>
    %dma_start3A_745 = arith.constant 0 : i32
    %dma_start3A_746 = arith.constant 0 : i32
    %dma_start3A_747 = tpu.memref_slice %arg2[%dma_start3A_745, %dma_start3A_746] : memref<16384x1024xf32, #tpu.memory_space<hbm>> -> memref<16384x1024xf32, #tpu.memory_space<hbm>>
    tpu.enqueue_indirect_dma source(%dma_start3A_747 : memref<16384x1024xf32, #tpu.memory_space<hbm>>) target(%dma_start3A_742 : memref<32x1024xf32, #tpu.memory_space<vmem>>) offsets(%dma_start3A_744 : memref<32xi32, #tpu.memory_space<vmem>>) semaphore(%arg8 : memref<!tpu.dma_semaphore, #tpu.memory_space<semaphore_mem>>)
    %dma_wait3A_748 = arith.constant 0 : i32
    %dma_wait3A_749 = arith.constant 0 : i32
    %dma_wait3A_750 = arith.constant 0 : i32
    %dma_wait3A_751 = tpu.memref_slice %arg7[%dma_wait3A_748, %dma_wait3A_749, %dma_wait3A_750] : memref<3x32x1024xf32, #tpu.memory_space<vmem>> -> memref<1x32x1024xf32, #tpu.memory_space<vmem>>
    %dma_wait3A_752 = tpu.memref_squeeze %dma_wait3A_751 : memref<1x32x1024xf32, #tpu.memory_space<vmem>> -> memref<32x1024xf32, #tpu.memory_space<vmem>>
    %dma_wait3A_753 = arith.constant 96 : i32
    %dma_wait3A_754 = tpu.memref_slice %arg6[%dma_wait3A_753] : memref<256xi32, #tpu.memory_space<vmem>> -> memref<32xi32, #tpu.memory_space<vmem>>
    %dma_wait3A_755 = arith.constant 0 : i32
    %dma_wait3A_756 = arith.constant 0 : i32
    %dma_wait3A_757 = tpu.memref_slice %arg2[%dma_wait3A_755, %dma_wait3A_756] : memref<16384x1024xf32, #tpu.memory_space<hbm>> -> memref<16384x1024xf32, #tpu.memory_space<hbm>>
    tpu.wait_indirect_dma semaphore(%arg8 : memref<!tpu.dma_semaphore, #tpu.memory_space<semaphore_mem>>) src(%dma_wait3A_757 : memref<16384x1024xf32, #tpu.memory_space<hbm>>) dst(%dma_wait3A_752 : memref<32x1024xf32, #tpu.memory_space<vmem>>)
    %add3A_758 = arith.constant 48 : i32
    %add3A_759 = arith.addi %mul3A_2, %add3A_758 : i32
    %dma_start3A_760 = arith.constant 0 : i32
    %dma_start3A_761 = arith.constant 0 : i32
    %dma_start3A_762 = arith.constant 0 : i32
    %dma_start3A_763 = tpu.memref_slice %arg7[%dma_start3A_760, %dma_start3A_761, %dma_start3A_762] : memref<3x32x1024xf32, #tpu.memory_space<vmem>> -> memref<1x16x1024xf32, #tpu.memory_space<vmem>>
    %dma_start3A_764 = tpu.memref_squeeze %dma_start3A_763 : memref<1x16x1024xf32, #tpu.memory_space<vmem>> -> memref<16x1024xf32, #tpu.memory_space<vmem>>
    %dma_start3A_765 = arith.constant 0 : i32
    %dma_start3A_766 = tpu.memref_slice %arg4[%add3A_759, %dma_start3A_765] : memref<4096x2048xf32, #tpu.memory_space<hbm>> -> memref<16x1024xf32, #tpu.memory_space<hbm>>
    %dma_start3A_767 = arith.constant 0 : i32
    %dma_start3A_768 = tpu.memref_slice %arg4[%add3A_759, %dma_start3A_767] : memref<4096x2048xf32, #tpu.memory_space<hbm>> -> memref<16x1024xf32, #tpu.memory_space<hbm>>
    %dma_start3A_769 = arith.constant 0 : i32
    %dma_start3A_770 = arith.constant 0 : i32
    %dma_start3A_771 = tpu.memref_slice %arg7[%dma_start3A_760, %dma_start3A_769, %dma_start3A_770] : memref<3x32x1024xf32, #tpu.memory_space<vmem>> -> memref<1x16x1024xf32, #tpu.memory_space<vmem>>
    %dma_start3A_772 = tpu.memref_squeeze %dma_start3A_771 : memref<1x16x1024xf32, #tpu.memory_space<vmem>> -> memref<16x1024xf32, #tpu.memory_space<vmem>>
    tpu.enqueue_dma source(%dma_start3A_772 : memref<16x1024xf32, #tpu.memory_space<vmem>>) target(%dma_start3A_768 : memref<16x1024xf32, #tpu.memory_space<hbm>>) target_semaphore(%arg9 : memref<!tpu.dma_semaphore, #tpu.memory_space<semaphore_mem>>)
    %dma_start3A_773 = arith.constant 0 : i32
    %dma_start3A_774 = arith.constant 16 : i32
    %dma_start3A_775 = arith.constant 0 : i32
    %dma_start3A_776 = tpu.memref_slice %arg7[%dma_start3A_773, %dma_start3A_774, %dma_start3A_775] : memref<3x32x1024xf32, #tpu.memory_space<vmem>> -> memref<1x16x1024xf32, #tpu.memory_space<vmem>>
    %dma_start3A_777 = tpu.memref_squeeze %dma_start3A_776 : memref<1x16x1024xf32, #tpu.memory_space<vmem>> -> memref<16x1024xf32, #tpu.memory_space<vmem>>
    %dma_start3A_778 = arith.constant 1024 : i32
    %dma_start3A_779 = tpu.memref_slice %arg4[%add3A_759, %dma_start3A_778] : memref<4096x2048xf32, #tpu.memory_space<hbm>> -> memref<16x1024xf32, #tpu.memory_space<hbm>>
    %dma_start3A_780 = arith.constant 1024 : i32
    %dma_start3A_781 = tpu.memref_slice %arg4[%add3A_759, %dma_start3A_780] : memref<4096x2048xf32, #tpu.memory_space<hbm>> -> memref<16x1024xf32, #tpu.memory_space<hbm>>
    %dma_start3A_782 = arith.constant 16 : i32
    %dma_start3A_783 = arith.constant 0 : i32
    %dma_start3A_784 = tpu.memref_slice %arg7[%dma_start3A_773, %dma_start3A_782, %dma_start3A_783] : memref<3x32x1024xf32, #tpu.memory_space<vmem>> -> memref<1x16x1024xf32, #tpu.memory_space<vmem>>
    %dma_start3A_785 = tpu.memref_squeeze %dma_start3A_784 : memref<1x16x1024xf32, #tpu.memory_space<vmem>> -> memref<16x1024xf32, #tpu.memory_space<vmem>>
    tpu.enqueue_dma source(%dma_start3A_785 : memref<16x1024xf32, #tpu.memory_space<vmem>>) target(%dma_start3A_781 : memref<16x1024xf32, #tpu.memory_space<hbm>>) target_semaphore(%arg9 : memref<!tpu.dma_semaphore, #tpu.memory_space<semaphore_mem>>)
    %dma_wait3A_786 = arith.constant 0 : i32
    %dma_wait3A_787 = arith.constant 0 : i32
    %dma_wait3A_788 = arith.constant 0 : i32
    %dma_wait3A_789 = tpu.memref_slice %arg7[%dma_wait3A_786, %dma_wait3A_787, %dma_wait3A_788] : memref<3x32x1024xf32, #tpu.memory_space<vmem>> -> memref<1x16x1024xf32, #tpu.memory_space<vmem>>
    %dma_wait3A_790 = tpu.memref_squeeze %dma_wait3A_789 : memref<1x16x1024xf32, #tpu.memory_space<vmem>> -> memref<16x1024xf32, #tpu.memory_space<vmem>>
    %dma_wait3A_791 = arith.constant 0 : i32
    %dma_wait3A_792 = tpu.memref_slice %arg4[%add3A_759, %dma_wait3A_791] : memref<4096x2048xf32, #tpu.memory_space<hbm>> -> memref<16x1024xf32, #tpu.memory_space<hbm>>
    %dma_wait3A_793 = arith.constant 0 : i32
    %dma_wait3A_794 = tpu.memref_slice %arg4[%add3A_759, %dma_wait3A_793] : memref<4096x2048xf32, #tpu.memory_space<hbm>> -> memref<16x1024xf32, #tpu.memory_space<hbm>>
    %dma_wait3A_795 = arith.constant 0 : i32
    %dma_wait3A_796 = arith.constant 0 : i32
    %dma_wait3A_797 = tpu.memref_slice %arg7[%dma_wait3A_786, %dma_wait3A_795, %dma_wait3A_796] : memref<3x32x1024xf32, #tpu.memory_space<vmem>> -> memref<1x16x1024xf32, #tpu.memory_space<vmem>>
    %dma_wait3A_798 = tpu.memref_squeeze %dma_wait3A_797 : memref<1x16x1024xf32, #tpu.memory_space<vmem>> -> memref<16x1024xf32, #tpu.memory_space<vmem>>
    tpu.wait_dma2 semaphore(%arg9 : memref<!tpu.dma_semaphore, #tpu.memory_space<semaphore_mem>>) src(%dma_wait3A_798 : memref<16x1024xf32, #tpu.memory_space<vmem>>) dst(%dma_wait3A_794 : memref<16x1024xf32, #tpu.memory_space<hbm>>)
    %dma_wait3A_799 = arith.constant 0 : i32
    %dma_wait3A_800 = arith.constant 16 : i32
    %dma_wait3A_801 = arith.constant 0 : i32
    %dma_wait3A_802 = tpu.memref_slice %arg7[%dma_wait3A_799, %dma_wait3A_800, %dma_wait3A_801] : memref<3x32x1024xf32, #tpu.memory_space<vmem>> -> memref<1x16x1024xf32, #tpu.memory_space<vmem>>
    %dma_wait3A_803 = tpu.memref_squeeze %dma_wait3A_802 : memref<1x16x1024xf32, #tpu.memory_space<vmem>> -> memref<16x1024xf32, #tpu.memory_space<vmem>>
    %dma_wait3A_804 = arith.constant 1024 : i32
    %dma_wait3A_805 = tpu.memref_slice %arg4[%add3A_759, %dma_wait3A_804] : memref<4096x2048xf32, #tpu.memory_space<hbm>> -> memref<16x1024xf32, #tpu.memory_space<hbm>>
    %dma_wait3A_806 = arith.constant 1024 : i32
    %dma_wait3A_807 = tpu.memref_slice %arg4[%add3A_759, %dma_wait3A_806] : memref<4096x2048xf32, #tpu.memory_space<hbm>> -> memref<16x1024xf32, #tpu.memory_space<hbm>>
    %dma_wait3A_808 = arith.constant 16 : i32
    %dma_wait3A_809 = arith.constant 0 : i32
    %dma_wait3A_810 = tpu.memref_slice %arg7[%dma_wait3A_799, %dma_wait3A_808, %dma_wait3A_809] : memref<3x32x1024xf32, #tpu.memory_space<vmem>> -> memref<1x16x1024xf32, #tpu.memory_space<vmem>>
    %dma_wait3A_811 = tpu.memref_squeeze %dma_wait3A_810 : memref<1x16x1024xf32, #tpu.memory_space<vmem>> -> memref<16x1024xf32, #tpu.memory_space<vmem>>
    tpu.wait_dma2 semaphore(%arg9 : memref<!tpu.dma_semaphore, #tpu.memory_space<semaphore_mem>>) src(%dma_wait3A_811 : memref<16x1024xf32, #tpu.memory_space<vmem>>) dst(%dma_wait3A_807 : memref<16x1024xf32, #tpu.memory_space<hbm>>)
    %dma_start3A_812 = arith.constant 0 : i32
    %dma_start3A_813 = arith.constant 0 : i32
    %dma_start3A_814 = arith.constant 0 : i32
    %dma_start3A_815 = tpu.memref_slice %arg7[%dma_start3A_812, %dma_start3A_813, %dma_start3A_814] : memref<3x32x1024xf32, #tpu.memory_space<vmem>> -> memref<1x32x1024xf32, #tpu.memory_space<vmem>>
    %dma_start3A_816 = tpu.memref_squeeze %dma_start3A_815 : memref<1x32x1024xf32, #tpu.memory_space<vmem>> -> memref<32x1024xf32, #tpu.memory_space<vmem>>
    %dma_start3A_817 = arith.constant 192 : i32
    %dma_start3A_818 = tpu.memref_slice %arg6[%dma_start3A_817] : memref<256xi32, #tpu.memory_space<vmem>> -> memref<32xi32, #tpu.memory_space<vmem>>
    %dma_start3A_819 = arith.constant 0 : i32
    %dma_start3A_820 = arith.constant 0 : i32
    %dma_start3A_821 = tpu.memref_slice %arg2[%dma_start3A_819, %dma_start3A_820] : memref<16384x1024xf32, #tpu.memory_space<hbm>> -> memref<16384x1024xf32, #tpu.memory_space<hbm>>
    tpu.enqueue_indirect_dma source(%dma_start3A_821 : memref<16384x1024xf32, #tpu.memory_space<hbm>>) target(%dma_start3A_816 : memref<32x1024xf32, #tpu.memory_space<vmem>>) offsets(%dma_start3A_818 : memref<32xi32, #tpu.memory_space<vmem>>) semaphore(%arg8 : memref<!tpu.dma_semaphore, #tpu.memory_space<semaphore_mem>>)
    %dma_wait3A_822 = arith.constant 1 : i32
    %dma_wait3A_823 = arith.constant 0 : i32
    %dma_wait3A_824 = arith.constant 0 : i32
    %dma_wait3A_825 = tpu.memref_slice %arg7[%dma_wait3A_822, %dma_wait3A_823, %dma_wait3A_824] : memref<3x32x1024xf32, #tpu.memory_space<vmem>> -> memref<1x32x1024xf32, #tpu.memory_space<vmem>>
    %dma_wait3A_826 = tpu.memref_squeeze %dma_wait3A_825 : memref<1x32x1024xf32, #tpu.memory_space<vmem>> -> memref<32x1024xf32, #tpu.memory_space<vmem>>
    %dma_wait3A_827 = arith.constant 128 : i32
    %dma_wait3A_828 = tpu.memref_slice %arg6[%dma_wait3A_827] : memref<256xi32, #tpu.memory_space<vmem>> -> memref<32xi32, #tpu.memory_space<vmem>>
    %dma_wait3A_829 = arith.constant 0 : i32
    %dma_wait3A_830 = arith.constant 0 : i32
    %dma_wait3A_831 = tpu.memref_slice %arg2[%dma_wait3A_829, %dma_wait3A_830] : memref<16384x1024xf32, #tpu.memory_space<hbm>> -> memref<16384x1024xf32, #tpu.memory_space<hbm>>
    tpu.wait_indirect_dma semaphore(%arg8 : memref<!tpu.dma_semaphore, #tpu.memory_space<semaphore_mem>>) src(%dma_wait3A_831 : memref<16384x1024xf32, #tpu.memory_space<hbm>>) dst(%dma_wait3A_826 : memref<32x1024xf32, #tpu.memory_space<vmem>>)
    %add3A_832 = arith.constant 64 : i32
    %add3A_833 = arith.addi %mul3A_2, %add3A_832 : i32
    %dma_start3A_834 = arith.constant 1 : i32
    %dma_start3A_835 = arith.constant 0 : i32
    %dma_start3A_836 = arith.constant 0 : i32
    %dma_start3A_837 = tpu.memref_slice %arg7[%dma_start3A_834, %dma_start3A_835, %dma_start3A_836] : memref<3x32x1024xf32, #tpu.memory_space<vmem>> -> memref<1x16x1024xf32, #tpu.memory_space<vmem>>
    %dma_start3A_838 = tpu.memref_squeeze %dma_start3A_837 : memref<1x16x1024xf32, #tpu.memory_space<vmem>> -> memref<16x1024xf32, #tpu.memory_space<vmem>>
    %dma_start3A_839 = arith.constant 0 : i32
    %dma_start3A_840 = tpu.memref_slice %arg4[%add3A_833, %dma_start3A_839] : memref<4096x2048xf32, #tpu.memory_space<hbm>> -> memref<16x1024xf32, #tpu.memory_space<hbm>>
    %dma_start3A_841 = arith.constant 0 : i32
    %dma_start3A_842 = tpu.memref_slice %arg4[%add3A_833, %dma_start3A_841] : memref<4096x2048xf32, #tpu.memory_space<hbm>> -> memref<16x1024xf32, #tpu.memory_space<hbm>>
    %dma_start3A_843 = arith.constant 0 : i32
    %dma_start3A_844 = arith.constant 0 : i32
    %dma_start3A_845 = tpu.memref_slice %arg7[%dma_start3A_834, %dma_start3A_843, %dma_start3A_844] : memref<3x32x1024xf32, #tpu.memory_space<vmem>> -> memref<1x16x1024xf32, #tpu.memory_space<vmem>>
    %dma_start3A_846 = tpu.memref_squeeze %dma_start3A_845 : memref<1x16x1024xf32, #tpu.memory_space<vmem>> -> memref<16x1024xf32, #tpu.memory_space<vmem>>
    tpu.enqueue_dma source(%dma_start3A_846 : memref<16x1024xf32, #tpu.memory_space<vmem>>) target(%dma_start3A_842 : memref<16x1024xf32, #tpu.memory_space<hbm>>) target_semaphore(%arg9 : memref<!tpu.dma_semaphore, #tpu.memory_space<semaphore_mem>>)
    %dma_start3A_847 = arith.constant 1 : i32
    %dma_start3A_848 = arith.constant 16 : i32
    %dma_start3A_849 = arith.constant 0 : i32
    %dma_start3A_850 = tpu.memref_slice %arg7[%dma_start3A_847, %dma_start3A_848, %dma_start3A_849] : memref<3x32x1024xf32, #tpu.memory_space<vmem>> -> memref<1x16x1024xf32, #tpu.memory_space<vmem>>
    %dma_start3A_851 = tpu.memref_squeeze %dma_start3A_850 : memref<1x16x1024xf32, #tpu.memory_space<vmem>> -> memref<16x1024xf32, #tpu.memory_space<vmem>>
    %dma_start3A_852 = arith.constant 1024 : i32
    %dma_start3A_853 = tpu.memref_slice %arg4[%add3A_833, %dma_start3A_852] : memref<4096x2048xf32, #tpu.memory_space<hbm>> -> memref<16x1024xf32, #tpu.memory_space<hbm>>
    %dma_start3A_854 = arith.constant 1024 : i32
    %dma_start3A_855 = tpu.memref_slice %arg4[%add3A_833, %dma_start3A_854] : memref<4096x2048xf32, #tpu.memory_space<hbm>> -> memref<16x1024xf32, #tpu.memory_space<hbm>>
    %dma_start3A_856 = arith.constant 16 : i32
    %dma_start3A_857 = arith.constant 0 : i32
    %dma_start3A_858 = tpu.memref_slice %arg7[%dma_start3A_847, %dma_start3A_856, %dma_start3A_857] : memref<3x32x1024xf32, #tpu.memory_space<vmem>> -> memref<1x16x1024xf32, #tpu.memory_space<vmem>>
    %dma_start3A_859 = tpu.memref_squeeze %dma_start3A_858 : memref<1x16x1024xf32, #tpu.memory_space<vmem>> -> memref<16x1024xf32, #tpu.memory_space<vmem>>
    tpu.enqueue_dma source(%dma_start3A_859 : memref<16x1024xf32, #tpu.memory_space<vmem>>) target(%dma_start3A_855 : memref<16x1024xf32, #tpu.memory_space<hbm>>) target_semaphore(%arg9 : memref<!tpu.dma_semaphore, #tpu.memory_space<semaphore_mem>>)
    %dma_wait3A_860 = arith.constant 1 : i32
    %dma_wait3A_861 = arith.constant 0 : i32
    %dma_wait3A_862 = arith.constant 0 : i32
    %dma_wait3A_863 = tpu.memref_slice %arg7[%dma_wait3A_860, %dma_wait3A_861, %dma_wait3A_862] : memref<3x32x1024xf32, #tpu.memory_space<vmem>> -> memref<1x16x1024xf32, #tpu.memory_space<vmem>>
    %dma_wait3A_864 = tpu.memref_squeeze %dma_wait3A_863 : memref<1x16x1024xf32, #tpu.memory_space<vmem>> -> memref<16x1024xf32, #tpu.memory_space<vmem>>
    %dma_wait3A_865 = arith.constant 0 : i32
    %dma_wait3A_866 = tpu.memref_slice %arg4[%add3A_833, %dma_wait3A_865] : memref<4096x2048xf32, #tpu.memory_space<hbm>> -> memref<16x1024xf32, #tpu.memory_space<hbm>>
    %dma_wait3A_867 = arith.constant 0 : i32
    %dma_wait3A_868 = tpu.memref_slice %arg4[%add3A_833, %dma_wait3A_867] : memref<4096x2048xf32, #tpu.memory_space<hbm>> -> memref<16x1024xf32, #tpu.memory_space<hbm>>
    %dma_wait3A_869 = arith.constant 0 : i32
    %dma_wait3A_870 = arith.constant 0 : i32
    %dma_wait3A_871 = tpu.memref_slice %arg7[%dma_wait3A_860, %dma_wait3A_869, %dma_wait3A_870] : memref<3x32x1024xf32, #tpu.memory_space<vmem>> -> memref<1x16x1024xf32, #tpu.memory_space<vmem>>
    %dma_wait3A_872 = tpu.memref_squeeze %dma_wait3A_871 : memref<1x16x1024xf32, #tpu.memory_space<vmem>> -> memref<16x1024xf32, #tpu.memory_space<vmem>>
    tpu.wait_dma2 semaphore(%arg9 : memref<!tpu.dma_semaphore, #tpu.memory_space<semaphore_mem>>) src(%dma_wait3A_872 : memref<16x1024xf32, #tpu.memory_space<vmem>>) dst(%dma_wait3A_868 : memref<16x1024xf32, #tpu.memory_space<hbm>>)
    %dma_wait3A_873 = arith.constant 1 : i32
    %dma_wait3A_874 = arith.constant 16 : i32
    %dma_wait3A_875 = arith.constant 0 : i32
    %dma_wait3A_876 = tpu.memref_slice %arg7[%dma_wait3A_873, %dma_wait3A_874, %dma_wait3A_875] : memref<3x32x1024xf32, #tpu.memory_space<vmem>> -> memref<1x16x1024xf32, #tpu.memory_space<vmem>>
    %dma_wait3A_877 = tpu.memref_squeeze %dma_wait3A_876 : memref<1x16x1024xf32, #tpu.memory_space<vmem>> -> memref<16x1024xf32, #tpu.memory_space<vmem>>
    %dma_wait3A_878 = arith.constant 1024 : i32
    %dma_wait3A_879 = tpu.memref_slice %arg4[%add3A_833, %dma_wait3A_878] : memref<4096x2048xf32, #tpu.memory_space<hbm>> -> memref<16x1024xf32, #tpu.memory_space<hbm>>
    %dma_wait3A_880 = arith.constant 1024 : i32
    %dma_wait3A_881 = tpu.memref_slice %arg4[%add3A_833, %dma_wait3A_880] : memref<4096x2048xf32, #tpu.memory_space<hbm>> -> memref<16x1024xf32, #tpu.memory_space<hbm>>
    %dma_wait3A_882 = arith.constant 16 : i32
    %dma_wait3A_883 = arith.constant 0 : i32
    %dma_wait3A_884 = tpu.memref_slice %arg7[%dma_wait3A_873, %dma_wait3A_882, %dma_wait3A_883] : memref<3x32x1024xf32, #tpu.memory_space<vmem>> -> memref<1x16x1024xf32, #tpu.memory_space<vmem>>
    %dma_wait3A_885 = tpu.memref_squeeze %dma_wait3A_884 : memref<1x16x1024xf32, #tpu.memory_space<vmem>> -> memref<16x1024xf32, #tpu.memory_space<vmem>>
    tpu.wait_dma2 semaphore(%arg9 : memref<!tpu.dma_semaphore, #tpu.memory_space<semaphore_mem>>) src(%dma_wait3A_885 : memref<16x1024xf32, #tpu.memory_space<vmem>>) dst(%dma_wait3A_881 : memref<16x1024xf32, #tpu.memory_space<hbm>>)
    %dma_start3A_886 = arith.constant 1 : i32
    %dma_start3A_887 = arith.constant 0 : i32
    %dma_start3A_888 = arith.constant 0 : i32
    %dma_start3A_889 = tpu.memref_slice %arg7[%dma_start3A_886, %dma_start3A_887, %dma_start3A_888] : memref<3x32x1024xf32, #tpu.memory_space<vmem>> -> memref<1x32x1024xf32, #tpu.memory_space<vmem>>
    %dma_start3A_890 = tpu.memref_squeeze %dma_start3A_889 : memref<1x32x1024xf32, #tpu.memory_space<vmem>> -> memref<32x1024xf32, #tpu.memory_space<vmem>>
    %dma_start3A_891 = arith.constant 224 : i32
    %dma_start3A_892 = tpu.memref_slice %arg6[%dma_start3A_891] : memref<256xi32, #tpu.memory_space<vmem>> -> memref<32xi32, #tpu.memory_space<vmem>>
    %dma_start3A_893 = arith.constant 0 : i32
    %dma_start3A_894 = arith.constant 0 : i32
    %dma_start3A_895 = tpu.memref_slice %arg2[%dma_start3A_893, %dma_start3A_894] : memref<16384x1024xf32, #tpu.memory_space<hbm>> -> memref<16384x1024xf32, #tpu.memory_space<hbm>>
    tpu.enqueue_indirect_dma source(%dma_start3A_895 : memref<16384x1024xf32, #tpu.memory_space<hbm>>) target(%dma_start3A_890 : memref<32x1024xf32, #tpu.memory_space<vmem>>) offsets(%dma_start3A_892 : memref<32xi32, #tpu.memory_space<vmem>>) semaphore(%arg8 : memref<!tpu.dma_semaphore, #tpu.memory_space<semaphore_mem>>)
    %dma_wait3A_896 = arith.constant 2 : i32
    %dma_wait3A_897 = arith.constant 0 : i32
    %dma_wait3A_898 = arith.constant 0 : i32
    %dma_wait3A_899 = tpu.memref_slice %arg7[%dma_wait3A_896, %dma_wait3A_897, %dma_wait3A_898] : memref<3x32x1024xf32, #tpu.memory_space<vmem>> -> memref<1x32x1024xf32, #tpu.memory_space<vmem>>
    %dma_wait3A_900 = tpu.memref_squeeze %dma_wait3A_899 : memref<1x32x1024xf32, #tpu.memory_space<vmem>> -> memref<32x1024xf32, #tpu.memory_space<vmem>>
    %dma_wait3A_901 = arith.constant 160 : i32
    %dma_wait3A_902 = tpu.memref_slice %arg6[%dma_wait3A_901] : memref<256xi32, #tpu.memory_space<vmem>> -> memref<32xi32, #tpu.memory_space<vmem>>
    %dma_wait3A_903 = arith.constant 0 : i32
    %dma_wait3A_904 = arith.constant 0 : i32
    %dma_wait3A_905 = tpu.memref_slice %arg2[%dma_wait3A_903, %dma_wait3A_904] : memref<16384x1024xf32, #tpu.memory_space<hbm>> -> memref<16384x1024xf32, #tpu.memory_space<hbm>>
    tpu.wait_indirect_dma semaphore(%arg8 : memref<!tpu.dma_semaphore, #tpu.memory_space<semaphore_mem>>) src(%dma_wait3A_905 : memref<16384x1024xf32, #tpu.memory_space<hbm>>) dst(%dma_wait3A_900 : memref<32x1024xf32, #tpu.memory_space<vmem>>)
    %add3A_906 = arith.constant 80 : i32
    %add3A_907 = arith.addi %mul3A_2, %add3A_906 : i32
    %dma_start3A_908 = arith.constant 2 : i32
    %dma_start3A_909 = arith.constant 0 : i32
    %dma_start3A_910 = arith.constant 0 : i32
    %dma_start3A_911 = tpu.memref_slice %arg7[%dma_start3A_908, %dma_start3A_909, %dma_start3A_910] : memref<3x32x1024xf32, #tpu.memory_space<vmem>> -> memref<1x16x1024xf32, #tpu.memory_space<vmem>>
    %dma_start3A_912 = tpu.memref_squeeze %dma_start3A_911 : memref<1x16x1024xf32, #tpu.memory_space<vmem>> -> memref<16x1024xf32, #tpu.memory_space<vmem>>
    %dma_start3A_913 = arith.constant 0 : i32
    %dma_start3A_914 = tpu.memref_slice %arg4[%add3A_907, %dma_start3A_913] : memref<4096x2048xf32, #tpu.memory_space<hbm>> -> memref<16x1024xf32, #tpu.memory_space<hbm>>
    %dma_start3A_915 = arith.constant 0 : i32
    %dma_start3A_916 = tpu.memref_slice %arg4[%add3A_907, %dma_start3A_915] : memref<4096x2048xf32, #tpu.memory_space<hbm>> -> memref<16x1024xf32, #tpu.memory_space<hbm>>
    %dma_start3A_917 = arith.constant 0 : i32
    %dma_start3A_918 = arith.constant 0 : i32
    %dma_start3A_919 = tpu.memref_slice %arg7[%dma_start3A_908, %dma_start3A_917, %dma_start3A_918] : memref<3x32x1024xf32, #tpu.memory_space<vmem>> -> memref<1x16x1024xf32, #tpu.memory_space<vmem>>
    %dma_start3A_920 = tpu.memref_squeeze %dma_start3A_919 : memref<1x16x1024xf32, #tpu.memory_space<vmem>> -> memref<16x1024xf32, #tpu.memory_space<vmem>>
    tpu.enqueue_dma source(%dma_start3A_920 : memref<16x1024xf32, #tpu.memory_space<vmem>>) target(%dma_start3A_916 : memref<16x1024xf32, #tpu.memory_space<hbm>>) target_semaphore(%arg9 : memref<!tpu.dma_semaphore, #tpu.memory_space<semaphore_mem>>)
    %dma_start3A_921 = arith.constant 2 : i32
    %dma_start3A_922 = arith.constant 16 : i32
    %dma_start3A_923 = arith.constant 0 : i32
    %dma_start3A_924 = tpu.memref_slice %arg7[%dma_start3A_921, %dma_start3A_922, %dma_start3A_923] : memref<3x32x1024xf32, #tpu.memory_space<vmem>> -> memref<1x16x1024xf32, #tpu.memory_space<vmem>>
    %dma_start3A_925 = tpu.memref_squeeze %dma_start3A_924 : memref<1x16x1024xf32, #tpu.memory_space<vmem>> -> memref<16x1024xf32, #tpu.memory_space<vmem>>
    %dma_start3A_926 = arith.constant 1024 : i32
    %dma_start3A_927 = tpu.memref_slice %arg4[%add3A_907, %dma_start3A_926] : memref<4096x2048xf32, #tpu.memory_space<hbm>> -> memref<16x1024xf32, #tpu.memory_space<hbm>>
    %dma_start3A_928 = arith.constant 1024 : i32
    %dma_start3A_929 = tpu.memref_slice %arg4[%add3A_907, %dma_start3A_928] : memref<4096x2048xf32, #tpu.memory_space<hbm>> -> memref<16x1024xf32, #tpu.memory_space<hbm>>
    %dma_start3A_930 = arith.constant 16 : i32
    %dma_start3A_931 = arith.constant 0 : i32
    %dma_start3A_932 = tpu.memref_slice %arg7[%dma_start3A_921, %dma_start3A_930, %dma_start3A_931] : memref<3x32x1024xf32, #tpu.memory_space<vmem>> -> memref<1x16x1024xf32, #tpu.memory_space<vmem>>
    %dma_start3A_933 = tpu.memref_squeeze %dma_start3A_932 : memref<1x16x1024xf32, #tpu.memory_space<vmem>> -> memref<16x1024xf32, #tpu.memory_space<vmem>>
    tpu.enqueue_dma source(%dma_start3A_933 : memref<16x1024xf32, #tpu.memory_space<vmem>>) target(%dma_start3A_929 : memref<16x1024xf32, #tpu.memory_space<hbm>>) target_semaphore(%arg9 : memref<!tpu.dma_semaphore, #tpu.memory_space<semaphore_mem>>)
    %dma_wait3A_934 = arith.constant 0 : i32
    %dma_wait3A_935 = arith.constant 0 : i32
    %dma_wait3A_936 = arith.constant 0 : i32
    %dma_wait3A_937 = tpu.memref_slice %arg7[%dma_wait3A_934, %dma_wait3A_935, %dma_wait3A_936] : memref<3x32x1024xf32, #tpu.memory_space<vmem>> -> memref<1x32x1024xf32, #tpu.memory_space<vmem>>
    %dma_wait3A_938 = tpu.memref_squeeze %dma_wait3A_937 : memref<1x32x1024xf32, #tpu.memory_space<vmem>> -> memref<32x1024xf32, #tpu.memory_space<vmem>>
    %dma_wait3A_939 = arith.constant 192 : i32
    %dma_wait3A_940 = tpu.memref_slice %arg6[%dma_wait3A_939] : memref<256xi32, #tpu.memory_space<vmem>> -> memref<32xi32, #tpu.memory_space<vmem>>
    %dma_wait3A_941 = arith.constant 0 : i32
    %dma_wait3A_942 = arith.constant 0 : i32
    %dma_wait3A_943 = tpu.memref_slice %arg2[%dma_wait3A_941, %dma_wait3A_942] : memref<16384x1024xf32, #tpu.memory_space<hbm>> -> memref<16384x1024xf32, #tpu.memory_space<hbm>>
    tpu.wait_indirect_dma semaphore(%arg8 : memref<!tpu.dma_semaphore, #tpu.memory_space<semaphore_mem>>) src(%dma_wait3A_943 : memref<16384x1024xf32, #tpu.memory_space<hbm>>) dst(%dma_wait3A_938 : memref<32x1024xf32, #tpu.memory_space<vmem>>)
    %add3A_944 = arith.constant 96 : i32
    %add3A_945 = arith.addi %mul3A_2, %add3A_944 : i32
    %dma_start3A_946 = arith.constant 0 : i32
    %dma_start3A_947 = arith.constant 0 : i32
    %dma_start3A_948 = arith.constant 0 : i32
    %dma_start3A_949 = tpu.memref_slice %arg7[%dma_start3A_946, %dma_start3A_947, %dma_start3A_948] : memref<3x32x1024xf32, #tpu.memory_space<vmem>> -> memref<1x16x1024xf32, #tpu.memory_space<vmem>>
    %dma_start3A_950 = tpu.memref_squeeze %dma_start3A_949 : memref<1x16x1024xf32, #tpu.memory_space<vmem>> -> memref<16x1024xf32, #tpu.memory_space<vmem>>
    %dma_start3A_951 = arith.constant 0 : i32
    %dma_start3A_952 = tpu.memref_slice %arg4[%add3A_945, %dma_start3A_951] : memref<4096x2048xf32, #tpu.memory_space<hbm>> -> memref<16x1024xf32, #tpu.memory_space<hbm>>
    %dma_start3A_953 = arith.constant 0 : i32
    %dma_start3A_954 = tpu.memref_slice %arg4[%add3A_945, %dma_start3A_953] : memref<4096x2048xf32, #tpu.memory_space<hbm>> -> memref<16x1024xf32, #tpu.memory_space<hbm>>
    %dma_start3A_955 = arith.constant 0 : i32
    %dma_start3A_956 = arith.constant 0 : i32
    %dma_start3A_957 = tpu.memref_slice %arg7[%dma_start3A_946, %dma_start3A_955, %dma_start3A_956] : memref<3x32x1024xf32, #tpu.memory_space<vmem>> -> memref<1x16x1024xf32, #tpu.memory_space<vmem>>
    %dma_start3A_958 = tpu.memref_squeeze %dma_start3A_957 : memref<1x16x1024xf32, #tpu.memory_space<vmem>> -> memref<16x1024xf32, #tpu.memory_space<vmem>>
    tpu.enqueue_dma source(%dma_start3A_958 : memref<16x1024xf32, #tpu.memory_space<vmem>>) target(%dma_start3A_954 : memref<16x1024xf32, #tpu.memory_space<hbm>>) target_semaphore(%arg9 : memref<!tpu.dma_semaphore, #tpu.memory_space<semaphore_mem>>)
    %dma_start3A_959 = arith.constant 0 : i32
    %dma_start3A_960 = arith.constant 16 : i32
    %dma_start3A_961 = arith.constant 0 : i32
    %dma_start3A_962 = tpu.memref_slice %arg7[%dma_start3A_959, %dma_start3A_960, %dma_start3A_961] : memref<3x32x1024xf32, #tpu.memory_space<vmem>> -> memref<1x16x1024xf32, #tpu.memory_space<vmem>>
    %dma_start3A_963 = tpu.memref_squeeze %dma_start3A_962 : memref<1x16x1024xf32, #tpu.memory_space<vmem>> -> memref<16x1024xf32, #tpu.memory_space<vmem>>
    %dma_start3A_964 = arith.constant 1024 : i32
    %dma_start3A_965 = tpu.memref_slice %arg4[%add3A_945, %dma_start3A_964] : memref<4096x2048xf32, #tpu.memory_space<hbm>> -> memref<16x1024xf32, #tpu.memory_space<hbm>>
    %dma_start3A_966 = arith.constant 1024 : i32
    %dma_start3A_967 = tpu.memref_slice %arg4[%add3A_945, %dma_start3A_966] : memref<4096x2048xf32, #tpu.memory_space<hbm>> -> memref<16x1024xf32, #tpu.memory_space<hbm>>
    %dma_start3A_968 = arith.constant 16 : i32
    %dma_start3A_969 = arith.constant 0 : i32
    %dma_start3A_970 = tpu.memref_slice %arg7[%dma_start3A_959, %dma_start3A_968, %dma_start3A_969] : memref<3x32x1024xf32, #tpu.memory_space<vmem>> -> memref<1x16x1024xf32, #tpu.memory_space<vmem>>
    %dma_start3A_971 = tpu.memref_squeeze %dma_start3A_970 : memref<1x16x1024xf32, #tpu.memory_space<vmem>> -> memref<16x1024xf32, #tpu.memory_space<vmem>>
    tpu.enqueue_dma source(%dma_start3A_971 : memref<16x1024xf32, #tpu.memory_space<vmem>>) target(%dma_start3A_967 : memref<16x1024xf32, #tpu.memory_space<hbm>>) target_semaphore(%arg9 : memref<!tpu.dma_semaphore, #tpu.memory_space<semaphore_mem>>)
    %dma_wait3A_972 = arith.constant 1 : i32
    %dma_wait3A_973 = arith.constant 0 : i32
    %dma_wait3A_974 = arith.constant 0 : i32
    %dma_wait3A_975 = tpu.memref_slice %arg7[%dma_wait3A_972, %dma_wait3A_973, %dma_wait3A_974] : memref<3x32x1024xf32, #tpu.memory_space<vmem>> -> memref<1x32x1024xf32, #tpu.memory_space<vmem>>
    %dma_wait3A_976 = tpu.memref_squeeze %dma_wait3A_975 : memref<1x32x1024xf32, #tpu.memory_space<vmem>> -> memref<32x1024xf32, #tpu.memory_space<vmem>>
    %dma_wait3A_977 = arith.constant 224 : i32
    %dma_wait3A_978 = tpu.memref_slice %arg6[%dma_wait3A_977] : memref<256xi32, #tpu.memory_space<vmem>> -> memref<32xi32, #tpu.memory_space<vmem>>
    %dma_wait3A_979 = arith.constant 0 : i32
    %dma_wait3A_980 = arith.constant 0 : i32
    %dma_wait3A_981 = tpu.memref_slice %arg2[%dma_wait3A_979, %dma_wait3A_980] : memref<16384x1024xf32, #tpu.memory_space<hbm>> -> memref<16384x1024xf32, #tpu.memory_space<hbm>>
    tpu.wait_indirect_dma semaphore(%arg8 : memref<!tpu.dma_semaphore, #tpu.memory_space<semaphore_mem>>) src(%dma_wait3A_981 : memref<16384x1024xf32, #tpu.memory_space<hbm>>) dst(%dma_wait3A_976 : memref<32x1024xf32, #tpu.memory_space<vmem>>)
    %add3A_982 = arith.constant 112 : i32
    %add3A_983 = arith.addi %mul3A_2, %add3A_982 : i32
    %dma_start3A_984 = arith.constant 1 : i32
    %dma_start3A_985 = arith.constant 0 : i32
    %dma_start3A_986 = arith.constant 0 : i32
    %dma_start3A_987 = tpu.memref_slice %arg7[%dma_start3A_984, %dma_start3A_985, %dma_start3A_986] : memref<3x32x1024xf32, #tpu.memory_space<vmem>> -> memref<1x16x1024xf32, #tpu.memory_space<vmem>>
    %dma_start3A_988 = tpu.memref_squeeze %dma_start3A_987 : memref<1x16x1024xf32, #tpu.memory_space<vmem>> -> memref<16x1024xf32, #tpu.memory_space<vmem>>
    %dma_start3A_989 = arith.constant 0 : i32
    %dma_start3A_990 = tpu.memref_slice %arg4[%add3A_983, %dma_start3A_989] : memref<4096x2048xf32, #tpu.memory_space<hbm>> -> memref<16x1024xf32, #tpu.memory_space<hbm>>
    %dma_start3A_991 = arith.constant 0 : i32
    %dma_start3A_992 = tpu.memref_slice %arg4[%add3A_983, %dma_start3A_991] : memref<4096x2048xf32, #tpu.memory_space<hbm>> -> memref<16x1024xf32, #tpu.memory_space<hbm>>
    %dma_start3A_993 = arith.constant 0 : i32
    %dma_start3A_994 = arith.constant 0 : i32
    %dma_start3A_995 = tpu.memref_slice %arg7[%dma_start3A_984, %dma_start3A_993, %dma_start3A_994] : memref<3x32x1024xf32, #tpu.memory_space<vmem>> -> memref<1x16x1024xf32, #tpu.memory_space<vmem>>
    %dma_start3A_996 = tpu.memref_squeeze %dma_start3A_995 : memref<1x16x1024xf32, #tpu.memory_space<vmem>> -> memref<16x1024xf32, #tpu.memory_space<vmem>>
    tpu.enqueue_dma source(%dma_start3A_996 : memref<16x1024xf32, #tpu.memory_space<vmem>>) target(%dma_start3A_992 : memref<16x1024xf32, #tpu.memory_space<hbm>>) target_semaphore(%arg9 : memref<!tpu.dma_semaphore, #tpu.memory_space<semaphore_mem>>)
    %dma_start3A_997 = arith.constant 1 : i32
    %dma_start3A_998 = arith.constant 16 : i32
    %dma_start3A_999 = arith.constant 0 : i32
    %dma_start3A_1000 = tpu.memref_slice %arg7[%dma_start3A_997, %dma_start3A_998, %dma_start3A_999] : memref<3x32x1024xf32, #tpu.memory_space<vmem>> -> memref<1x16x1024xf32, #tpu.memory_space<vmem>>
    %dma_start3A_1001 = tpu.memref_squeeze %dma_start3A_1000 : memref<1x16x1024xf32, #tpu.memory_space<vmem>> -> memref<16x1024xf32, #tpu.memory_space<vmem>>
    %dma_start3A_1002 = arith.constant 1024 : i32
    %dma_start3A_1003 = tpu.memref_slice %arg4[%add3A_983, %dma_start3A_1002] : memref<4096x2048xf32, #tpu.memory_space<hbm>> -> memref<16x1024xf32, #tpu.memory_space<hbm>>
    %dma_start3A_1004 = arith.constant 1024 : i32
    %dma_start3A_1005 = tpu.memref_slice %arg4[%add3A_983, %dma_start3A_1004] : memref<4096x2048xf32, #tpu.memory_space<hbm>> -> memref<16x1024xf32, #tpu.memory_space<hbm>>
    %dma_start3A_1006 = arith.constant 16 : i32
    %dma_start3A_1007 = arith.constant 0 : i32
    %dma_start3A_1008 = tpu.memref_slice %arg7[%dma_start3A_997, %dma_start3A_1006, %dma_start3A_1007] : memref<3x32x1024xf32, #tpu.memory_space<vmem>> -> memref<1x16x1024xf32, #tpu.memory_space<vmem>>
    %dma_start3A_1009 = tpu.memref_squeeze %dma_start3A_1008 : memref<1x16x1024xf32, #tpu.memory_space<vmem>> -> memref<16x1024xf32, #tpu.memory_space<vmem>>
    tpu.enqueue_dma source(%dma_start3A_1009 : memref<16x1024xf32, #tpu.memory_space<vmem>>) target(%dma_start3A_1005 : memref<16x1024xf32, #tpu.memory_space<hbm>>) target_semaphore(%arg9 : memref<!tpu.dma_semaphore, #tpu.memory_space<semaphore_mem>>)
    %dma_wait3A_1010 = arith.constant 2 : i32
    %dma_wait3A_1011 = arith.constant 0 : i32
    %dma_wait3A_1012 = arith.constant 0 : i32
    %dma_wait3A_1013 = tpu.memref_slice %arg7[%dma_wait3A_1010, %dma_wait3A_1011, %dma_wait3A_1012] : memref<3x32x1024xf32, #tpu.memory_space<vmem>> -> memref<1x16x1024xf32, #tpu.memory_space<vmem>>
    %dma_wait3A_1014 = tpu.memref_squeeze %dma_wait3A_1013 : memref<1x16x1024xf32, #tpu.memory_space<vmem>> -> memref<16x1024xf32, #tpu.memory_space<vmem>>
    %dma_wait3A_1015 = arith.constant 0 : i32
    %dma_wait3A_1016 = tpu.memref_slice %arg4[%add3A_907, %dma_wait3A_1015] : memref<4096x2048xf32, #tpu.memory_space<hbm>> -> memref<16x1024xf32, #tpu.memory_space<hbm>>
    %dma_wait3A_1017 = arith.constant 0 : i32
    %dma_wait3A_1018 = tpu.memref_slice %arg4[%add3A_907, %dma_wait3A_1017] : memref<4096x2048xf32, #tpu.memory_space<hbm>> -> memref<16x1024xf32, #tpu.memory_space<hbm>>
    %dma_wait3A_1019 = arith.constant 0 : i32
    %dma_wait3A_1020 = arith.constant 0 : i32
    %dma_wait3A_1021 = tpu.memref_slice %arg7[%dma_wait3A_1010, %dma_wait3A_1019, %dma_wait3A_1020] : memref<3x32x1024xf32, #tpu.memory_space<vmem>> -> memref<1x16x1024xf32, #tpu.memory_space<vmem>>
    %dma_wait3A_1022 = tpu.memref_squeeze %dma_wait3A_1021 : memref<1x16x1024xf32, #tpu.memory_space<vmem>> -> memref<16x1024xf32, #tpu.memory_space<vmem>>
    tpu.wait_dma2 semaphore(%arg9 : memref<!tpu.dma_semaphore, #tpu.memory_space<semaphore_mem>>) src(%dma_wait3A_1022 : memref<16x1024xf32, #tpu.memory_space<vmem>>) dst(%dma_wait3A_1018 : memref<16x1024xf32, #tpu.memory_space<hbm>>)
    %dma_wait3A_1023 = arith.constant 2 : i32
    %dma_wait3A_1024 = arith.constant 16 : i32
    %dma_wait3A_1025 = arith.constant 0 : i32
    %dma_wait3A_1026 = tpu.memref_slice %arg7[%dma_wait3A_1023, %dma_wait3A_1024, %dma_wait3A_1025] : memref<3x32x1024xf32, #tpu.memory_space<vmem>> -> memref<1x16x1024xf32, #tpu.memory_space<vmem>>
    %dma_wait3A_1027 = tpu.memref_squeeze %dma_wait3A_1026 : memref<1x16x1024xf32, #tpu.memory_space<vmem>> -> memref<16x1024xf32, #tpu.memory_space<vmem>>
    %dma_wait3A_1028 = arith.constant 1024 : i32
    %dma_wait3A_1029 = tpu.memref_slice %arg4[%add3A_907, %dma_wait3A_1028] : memref<4096x2048xf32, #tpu.memory_space<hbm>> -> memref<16x1024xf32, #tpu.memory_space<hbm>>
    %dma_wait3A_1030 = arith.constant 1024 : i32
    %dma_wait3A_1031 = tpu.memref_slice %arg4[%add3A_907, %dma_wait3A_1030] : memref<4096x2048xf32, #tpu.memory_space<hbm>> -> memref<16x1024xf32, #tpu.memory_space<hbm>>
    %dma_wait3A_1032 = arith.constant 16 : i32
    %dma_wait3A_1033 = arith.constant 0 : i32
    %dma_wait3A_1034 = tpu.memref_slice %arg7[%dma_wait3A_1023, %dma_wait3A_1032, %dma_wait3A_1033] : memref<3x32x1024xf32, #tpu.memory_space<vmem>> -> memref<1x16x1024xf32, #tpu.memory_space<vmem>>
    %dma_wait3A_1035 = tpu.memref_squeeze %dma_wait3A_1034 : memref<1x16x1024xf32, #tpu.memory_space<vmem>> -> memref<16x1024xf32, #tpu.memory_space<vmem>>
    tpu.wait_dma2 semaphore(%arg9 : memref<!tpu.dma_semaphore, #tpu.memory_space<semaphore_mem>>) src(%dma_wait3A_1035 : memref<16x1024xf32, #tpu.memory_space<vmem>>) dst(%dma_wait3A_1031 : memref<16x1024xf32, #tpu.memory_space<hbm>>)
    %dma_wait3A_1036 = arith.constant 0 : i32
    %dma_wait3A_1037 = arith.constant 0 : i32
    %dma_wait3A_1038 = arith.constant 0 : i32
    %dma_wait3A_1039 = tpu.memref_slice %arg7[%dma_wait3A_1036, %dma_wait3A_1037, %dma_wait3A_1038] : memref<3x32x1024xf32, #tpu.memory_space<vmem>> -> memref<1x16x1024xf32, #tpu.memory_space<vmem>>
    %dma_wait3A_1040 = tpu.memref_squeeze %dma_wait3A_1039 : memref<1x16x1024xf32, #tpu.memory_space<vmem>> -> memref<16x1024xf32, #tpu.memory_space<vmem>>
    %dma_wait3A_1041 = arith.constant 0 : i32
    %dma_wait3A_1042 = tpu.memref_slice %arg4[%add3A_945, %dma_wait3A_1041] : memref<4096x2048xf32, #tpu.memory_space<hbm>> -> memref<16x1024xf32, #tpu.memory_space<hbm>>
    %dma_wait3A_1043 = arith.constant 0 : i32
    %dma_wait3A_1044 = tpu.memref_slice %arg4[%add3A_945, %dma_wait3A_1043] : memref<4096x2048xf32, #tpu.memory_space<hbm>> -> memref<16x1024xf32, #tpu.memory_space<hbm>>
    %dma_wait3A_1045 = arith.constant 0 : i32
    %dma_wait3A_1046 = arith.constant 0 : i32
    %dma_wait3A_1047 = tpu.memref_slice %arg7[%dma_wait3A_1036, %dma_wait3A_1045, %dma_wait3A_1046] : memref<3x32x1024xf32, #tpu.memory_space<vmem>> -> memref<1x16x1024xf32, #tpu.memory_space<vmem>>
    %dma_wait3A_1048 = tpu.memref_squeeze %dma_wait3A_1047 : memref<1x16x1024xf32, #tpu.memory_space<vmem>> -> memref<16x1024xf32, #tpu.memory_space<vmem>>
    tpu.wait_dma2 semaphore(%arg9 : memref<!tpu.dma_semaphore, #tpu.memory_space<semaphore_mem>>) src(%dma_wait3A_1048 : memref<16x1024xf32, #tpu.memory_space<vmem>>) dst(%dma_wait3A_1044 : memref<16x1024xf32, #tpu.memory_space<hbm>>)
    %dma_wait3A_1049 = arith.constant 0 : i32
    %dma_wait3A_1050 = arith.constant 16 : i32
    %dma_wait3A_1051 = arith.constant 0 : i32
    %dma_wait3A_1052 = tpu.memref_slice %arg7[%dma_wait3A_1049, %dma_wait3A_1050, %dma_wait3A_1051] : memref<3x32x1024xf32, #tpu.memory_space<vmem>> -> memref<1x16x1024xf32, #tpu.memory_space<vmem>>
    %dma_wait3A_1053 = tpu.memref_squeeze %dma_wait3A_1052 : memref<1x16x1024xf32, #tpu.memory_space<vmem>> -> memref<16x1024xf32, #tpu.memory_space<vmem>>
    %dma_wait3A_1054 = arith.constant 1024 : i32
    %dma_wait3A_1055 = tpu.memref_slice %arg4[%add3A_945, %dma_wait3A_1054] : memref<4096x2048xf32, #tpu.memory_space<hbm>> -> memref<16x1024xf32, #tpu.memory_space<hbm>>
    %dma_wait3A_1056 = arith.constant 1024 : i32
    %dma_wait3A_1057 = tpu.memref_slice %arg4[%add3A_945, %dma_wait3A_1056] : memref<4096x2048xf32, #tpu.memory_space<hbm>> -> memref<16x1024xf32, #tpu.memory_space<hbm>>
    %dma_wait3A_1058 = arith.constant 16 : i32
    %dma_wait3A_1059 = arith.constant 0 : i32
    %dma_wait3A_1060 = tpu.memref_slice %arg7[%dma_wait3A_1049, %dma_wait3A_1058, %dma_wait3A_1059] : memref<3x32x1024xf32, #tpu.memory_space<vmem>> -> memref<1x16x1024xf32, #tpu.memory_space<vmem>>
    %dma_wait3A_1061 = tpu.memref_squeeze %dma_wait3A_1060 : memref<1x16x1024xf32, #tpu.memory_space<vmem>> -> memref<16x1024xf32, #tpu.memory_space<vmem>>
    tpu.wait_dma2 semaphore(%arg9 : memref<!tpu.dma_semaphore, #tpu.memory_space<semaphore_mem>>) src(%dma_wait3A_1061 : memref<16x1024xf32, #tpu.memory_space<vmem>>) dst(%dma_wait3A_1057 : memref<16x1024xf32, #tpu.memory_space<hbm>>)
    %dma_wait3A_1062 = arith.constant 1 : i32
    %dma_wait3A_1063 = arith.constant 0 : i32
    %dma_wait3A_1064 = arith.constant 0 : i32
    %dma_wait3A_1065 = tpu.memref_slice %arg7[%dma_wait3A_1062, %dma_wait3A_1063, %dma_wait3A_1064] : memref<3x32x1024xf32, #tpu.memory_space<vmem>> -> memref<1x16x1024xf32, #tpu.memory_space<vmem>>
    %dma_wait3A_1066 = tpu.memref_squeeze %dma_wait3A_1065 : memref<1x16x1024xf32, #tpu.memory_space<vmem>> -> memref<16x1024xf32, #tpu.memory_space<vmem>>
    %dma_wait3A_1067 = arith.constant 0 : i32
    %dma_wait3A_1068 = tpu.memref_slice %arg4[%add3A_983, %dma_wait3A_1067] : memref<4096x2048xf32, #tpu.memory_space<hbm>> -> memref<16x1024xf32, #tpu.memory_space<hbm>>
    %dma_wait3A_1069 = arith.constant 0 : i32
    %dma_wait3A_1070 = tpu.memref_slice %arg4[%add3A_983, %dma_wait3A_1069] : memref<4096x2048xf32, #tpu.memory_space<hbm>> -> memref<16x1024xf32, #tpu.memory_space<hbm>>
    %dma_wait3A_1071 = arith.constant 0 : i32
    %dma_wait3A_1072 = arith.constant 0 : i32
    %dma_wait3A_1073 = tpu.memref_slice %arg7[%dma_wait3A_1062, %dma_wait3A_1071, %dma_wait3A_1072] : memref<3x32x1024xf32, #tpu.memory_space<vmem>> -> memref<1x16x1024xf32, #tpu.memory_space<vmem>>
    %dma_wait3A_1074 = tpu.memref_squeeze %dma_wait3A_1073 : memref<1x16x1024xf32, #tpu.memory_space<vmem>> -> memref<16x1024xf32, #tpu.memory_space<vmem>>
    tpu.wait_dma2 semaphore(%arg9 : memref<!tpu.dma_semaphore, #tpu.memory_space<semaphore_mem>>) src(%dma_wait3A_1074 : memref<16x1024xf32, #tpu.memory_space<vmem>>) dst(%dma_wait3A_1070 : memref<16x1024xf32, #tpu.memory_space<hbm>>)
    %dma_wait3A_1075 = arith.constant 1 : i32
    %dma_wait3A_1076 = arith.constant 16 : i32
    %dma_wait3A_1077 = arith.constant 0 : i32
    %dma_wait3A_1078 = tpu.memref_slice %arg7[%dma_wait3A_1075, %dma_wait3A_1076, %dma_wait3A_1077] : memref<3x32x1024xf32, #tpu.memory_space<vmem>> -> memref<1x16x1024xf32, #tpu.memory_space<vmem>>
    %dma_wait3A_1079 = tpu.memref_squeeze %dma_wait3A_1078 : memref<1x16x1024xf32, #tpu.memory_space<vmem>> -> memref<16x1024xf32, #tpu.memory_space<vmem>>
    %dma_wait3A_1080 = arith.constant 1024 : i32
    %dma_wait3A_1081 = tpu.memref_slice %arg4[%add3A_983, %dma_wait3A_1080] : memref<4096x2048xf32, #tpu.memory_space<hbm>> -> memref<16x1024xf32, #tpu.memory_space<hbm>>
    %dma_wait3A_1082 = arith.constant 1024 : i32
    %dma_wait3A_1083 = tpu.memref_slice %arg4[%add3A_983, %dma_wait3A_1082] : memref<4096x2048xf32, #tpu.memory_space<hbm>> -> memref<16x1024xf32, #tpu.memory_space<hbm>>
    %dma_wait3A_1084 = arith.constant 16 : i32
    %dma_wait3A_1085 = arith.constant 0 : i32
    %dma_wait3A_1086 = tpu.memref_slice %arg7[%dma_wait3A_1075, %dma_wait3A_1084, %dma_wait3A_1085] : memref<3x32x1024xf32, #tpu.memory_space<vmem>> -> memref<1x16x1024xf32, #tpu.memory_space<vmem>>
    %dma_wait3A_1087 = tpu.memref_squeeze %dma_wait3A_1086 : memref<1x16x1024xf32, #tpu.memory_space<vmem>> -> memref<16x1024xf32, #tpu.memory_space<vmem>>
    tpu.wait_dma2 semaphore(%arg9 : memref<!tpu.dma_semaphore, #tpu.memory_space<semaphore_mem>>) src(%dma_wait3A_1087 : memref<16x1024xf32, #tpu.memory_space<vmem>>) dst(%dma_wait3A_1083 : memref<16x1024xf32, #tpu.memory_space<hbm>>)
    return
  }
}

</mosaic_0001>

<sc_bundles>
// kernel: kernel.3.cloned.1.call-start
scs
__scs_entry_jumppad:
0x0: {  	(pc) =	sbr.rel $0x88, $3  }
0x1: {  	(tag) =	ssettag $0x0;
	lr =	simm.s32 $0x1  }
0x2: {  	[smem:$0x3F9F] =	sst lr;
	_ =	strace $0xD0000000  }
0x3: {  	_ = 	snop  }
0x4: {  	_ = 	snop  }
0x5: {  	_ = 	snop  }
0x6: {  	_ = 	snop  }
0x7: {  	_ = 	snop  }
__scs_overlays_trampoline_lowered:
0x8: {  	[smem:$0x3FAE] =	sst s0  }
0x9: {  	[smem:$0x3FAF] =	sst s1  }
0xa: {  	[smem:$0x3FB0] =	sst s2  }
0xb: {  	[smem:$0x3FB1] =	sst s3  }
0xc: {  	[smem:$0x3FB2] =	sst s4  }
0xd: {  	[smem:$0x3FB3] =	sst s5  }
0xe: {  	[smem:$0x3FB4] =	sst s6  }
0xf: {  	[smem:$0x3FB5] =	sst s7  }
0x10: {  	[smem:$0x3FB6] =	sst s8  }
0x11: {  	[smem:$0x3FB7] =	sst s9;
	s0 =	simm.s32 @!p0 $0x0  }
0x12: {  	s1 =	sld [smem:$0x3F9D];
	s0 =	simm.s32 @p0 $0x1  }
0x13: {  	[smem:$0x3FB8] =	sst s0;
	s0 =	simm.s32 @!p1 $0x0  }
0x14: {  	s2 =	sld [smem:$0x3F9C];
	s0 =	simm.s32 @p1 $0x1  }
0x15: {  	[smem:$0x3FB9] =	sst s0;
	s0 =	simm.s32 @!p2 $0x0  }
0x16: {  	s3 =	sld [smem:$0x3FDB];
	s0 =	simm.s32 @p2 $0x1  }
0x17: {  	s4 =	simm.s32 $0x1BF5;
	[smem:$0x3FBB] =	sst s0  }
0x18: {  	s0 =	sld [smem:$0x3F9E];
	_ =	swait.ge [sflag:s4], $0x0  }
0x19: {  	s7 =	sld [smem:$0x3F9F]  }
0x1a: {  	s8 =	sadd.s32 $0xFFFFE003, lr  }
0x1b: {  	s9 =	sadd.s32 $0xFFFFFEF7, lr;
	s5 =	simm.s32 $0xFFFFFFFF;
	p2 =	slt.u32 s8, $0xFFFFF086  }
0x1c: {  	p1 =	slt.u32 s9, $0xF7A;
	s5 =	simm.s32 @!p2 $0x0  }
0x1d: {  	s5 =	simm.s32 @p1 $0x1;
	p0 =	seq.s32 s7, s2  }
0x1e: {  	s7 =	smul.u32 @!p0 $0xF7A, s2;
	p2 =	seq.s32 @!p0 s5, $0x0  }
0x1f: {  	s9 =	smul.u32 $0xF7A, s1;
	s8 =	simm.s32 @!p0 $0x1BF5;
	p2 =	por !p2, p0  }
0x20: {  	[sflag:s8] =	ssyncset.s32 @!p0 $0xFFFFF086;
	s6 =	sadd.s32 @!p0 s3, s7;
	s7 =	simm.s32 @!p0 $0x108  }
0x21: {  	s3 =	sadd.s32 s3, s9;
	s6 =	sadd.s32 @!p0 $0x88, s6;
	s7 =	simm.s32 @p2 $0x1082  }
0x22: {  	[simem:s7], [sflag:s8] =	dma.local @!p0 [hbm:s6], $0xF7A  }
0x23: {  	s9 =	sor.u32 $0xD0000000, s2;
	s6 =	simm.s32 $0x108;
	_ =	swait.ge @!p0 [sflag:s8], $0x0  }
0x24: {  	s3 =	sadd.s32 $0x88, s3;
	s6 =	simm.s32 @!p1 $0x1082;
	[sflag:s4] =	ssyncset.s32 $0xFFFFF086  }
0x25: {  	[simem:s6], [sflag:s4] =	dma.local [hbm:s3], $0xF7A  }
0x26: {  	[smem:$0x3F9F] =	sst s1;
	(tag) =	ssettag s2;
	_ =	strace s9  }
0x27: {  	s1 =	sld [smem:$0x3FAF]  }
0x28: {  	s2 =	sld [smem:$0x3FB0]  }
0x29: {  	s4 =	sld [smem:$0x3FB2]  }
0x2a: {  	p0 =	seq.s32 s5, $0x0;
	s5 =	sld [smem:$0x3FB3]  }
0x2b: {  	s6 =	sld [smem:$0x3FB4]  }
0x2c: {  	s7 =	sld [smem:$0x3FB5]  }
0x2d: {  	s3 =	simm.s32 $0x108;
	s8 =	sld [smem:$0x3FB6]  }
0x2e: {  	s3 =	simm.s32 @!p0 $0x1082;
	s9 =	sld [smem:$0x3FB7]  }
0x2f: {  	lr =	sadd.s32 s0, s3;
	s0 =	sld [smem:$0x3FAE]  }
0x30: {  	s3 =	sld [smem:$0x3FB1]  }
0x31: {  	[smem:$0x3FBA] =	sst s10  }
0x32: {  	s10 =	sld [smem:$0x3FB8];
	_ =	sdelay $0x3  }
0x33: {  	p0 =	seq.s32 s10, $0x1;
	s10 =	sld [smem:$0x3FBA];
	_ =	sdelay $0x3  }
0x34: {  	[smem:$0x3FBA] =	sst s10  }
0x35: {  	s10 =	sld [smem:$0x3FB9];
	_ =	sdelay $0x3  }
0x36: {  	p1 =	seq.s32 s10, $0x1;
	s10 =	sld [smem:$0x3FBA];
	_ =	sdelay $0x3  }
0x37: {  	[smem:$0x3FBA] =	sst s10  }
0x38: {  	s10 =	sld [smem:$0x3FBB]  }
0x39: {  	_ = 	snop;
	(pc) =	sbr.ind lr, $3  }
0x3a: {  	_ = 	snop  }
0x3b: {  	_ = 	snop  }
0x3c: {  	p2 =	seq.s32 s10, $0x1;
	s10 =	sld [smem:$0x3FBA]  }
0x3d: {  	_ =	shalt  }
0x3e: {  	_ =	shalt  }
0x3f: {  	_ =	shalt  }
0x40: {  	_ =	shalt  }
0x41: {  	_ =	shalt  }
0x42: {  	_ =	shalt  }
0x43: {  	_ =	shalt  }
0x44: {  	_ =	shalt  }
0x45: {  	_ =	shalt  }
0x46: {  	_ =	shalt  }
0x47: {  	_ =	shalt  }
0x48: {  	_ =	shalt  }
0x49: {  	_ =	shalt  }
0x4a: {  	_ =	shalt  }
0x4b: {  	_ =	shalt  }
0x4c: {  	_ =	shalt  }
0x4d: {  	_ =	shalt  }
0x4e: {  	_ =	shalt  }
0x4f: {  	_ =	shalt  }
0x50: {  	_ =	shalt  }
0x51: {  	_ =	shalt  }
0x52: {  	_ =	shalt  }
0x53: {  	_ =	shalt  }
0x54: {  	_ =	shalt  }
0x55: {  	_ =	shalt  }
0x56: {  	_ =	shalt  }
0x57: {  	_ =	shalt  }
0x58: {  	_ =	shalt  }
0x59: {  	_ =	shalt  }
0x5a: {  	_ =	shalt  }
0x5b: {  	_ =	shalt  }
0x5c: {  	_ =	shalt  }
0x5d: {  	_ =	shalt  }
0x5e: {  	_ =	shalt  }
0x5f: {  	_ =	shalt  }
0x60: {  	_ =	shalt  }
0x61: {  	_ =	shalt  }
0x62: {  	_ =	shalt  }
0x63: {  	_ =	shalt  }
0x64: {  	_ =	shalt  }
0x65: {  	_ =	shalt  }
0x66: {  	_ =	shalt  }
0x67: {  	_ =	shalt  }
0x68: {  	_ =	shalt  }
0x69: {  	_ =	shalt  }
0x6a: {  	_ =	shalt  }
0x6b: {  	_ =	shalt  }
0x6c: {  	_ =	shalt  }
0x6d: {  	_ =	shalt  }
0x6e: {  	_ =	shalt  }
0x6f: {  	_ =	shalt  }
0x70: {  	_ =	shalt  }
0x71: {  	_ =	shalt  }
0x72: {  	_ =	shalt  }
0x73: {  	_ =	shalt  }
0x74: {  	_ =	shalt  }
0x75: {  	_ =	shalt  }
0x76: {  	_ =	shalt  }
0x77: {  	_ =	shalt  }
0x78: {  	_ =	shalt  }
0x79: {  	_ =	shalt  }
0x7a: {  	_ =	shalt  }
0x7b: {  	_ =	shalt  }
0x7c: {  	_ =	shalt  }
0x7d: {  	_ =	shalt  }
0x7e: {  	_ =	shalt  }
0x7f: {  	_ =	shalt  }
0x80: {  	_ =	shalt  }
0x81: {  	_ =	shalt  }
0x82: {  	_ =	shalt  }
0x83: {  	_ =	shalt  }
0x84: {  	_ =	shalt  }
0x85: {  	_ =	shalt  }
0x86: {  	_ =	shalt  }
0x87: {  	_ =	shalt  }
.Lfunc_end0:
.L_simem_size_0:
called_computation_lowered:
.L_overlay_start_0:
0x88: {  	s2 =	sld [smem:$0x3FD9]  }
0x89: {  	s3 =	sld [smem:$0x3FFE];
	_ =	sdelay $0x1  }
0x8a: {  	s1 =	srdreg.scid  }
0x8b: {  	s0 =	sand.u32 $0x1, s1  }
0x8c: {  	s18 =	sshll.u32 s0, $0xA;
	s2 =	sadd.s32 s3, s2  }
0x8d: {  	s2 =	sadd.s32 s2, s18  }
0x8e: {  	[smem:$0x3FC6] =	sst s2  }
0x8f: {  	_ = 	snop  }
0x90: {  	s2 =	sld [smem:$0x3FC9]  }
0x91: {  	s19 =	sld [smem:$0x3FC8]  }
0x92: {  	s4 =	sld [smem:$0x3FD0];
	(tm) =	ssettm $0x1  }
0x93: {  	s5 =	sld [smem:$0x3FFB];
	_ =	sdelay $0x3  }
0x94: {  	_ =	strace s5  }
0x95: {  	s5 =	sld [smem:$0x3FFC];
	_ =	sdelay $0x3  }
0x96: {  	_ =	strace s5  }
0x97: {  	s5 =	sld [smem:$0x3FFD];
	_ =	sdelay $0x3  }
0x98: {  	_ =	strace s5  }
0x99: {  	_ =	strace $0x8FFFFFFF  }
0x9a: {  	s20 =	sld [smem:$0x3FDB];
	_ =	sdelay $0x1  }
0x9b: {  	s6 =	simm.s32 $_scs_section_size  }
0x9c: {  	s7 =	simm.s32 $_size__tile_overlayer_lowered;
	s8 =	simm.s32 $_tile_overlayer_lowered  }
0x9d: {  	s23 =	simm.s32 $0x1BFF;
	s22 =	sshll.u32 s8, $0x1;
	s5 =	sadd.s32 s6, s20  }
0x9e: {  	s9 =	simm.s32 $0x0;
	s21 =	sshll.u32 s7, $0x1;
	s7 =	sadd.s32 s22, s5  }
0x9f: {  	[timem:s9], [sflag:s23] =	dma.local [hbm:s7], s21  }
0xa0: {  	_ =	swait.ge [sflag:s23], s21  }
0xa1: {  	s6 =	ssub.s32 $0x0, s21;
	[sflag:s23] =	ssyncset.done $0x0  }
0xa2: {  	[sflag:s23] =	ssyncadd.s32 s6;
	_ =	sdelay $0x1  }
0xa3: {  	s24 =	simm.s32 $0x1B8B  }
0xa4: {  	_ =	swait.ge [sflag:s24], $0x1  }
0xa5: {  	[sflag:s24] =	ssyncset.done $0x0  }
0xa6: {  	s25 =	simm.s32 $0x1B8E;
	[sflag:s24] =	ssyncadd.s32 $0xFFFFFFFF  }
0xa7: {  	s26 =	simm.s32 $execute0_lowered;
	[smem:$0x3FD2] =	sst s25  }
0xa8: {  	s6 =	sshll.u32 s26, $0x1;
	_ =	strace $0x80000046;
	[dreg:$0x1] =	wrdreg $0xFFFFFFFF  }
0xa9: {  	s28 =	simm.s32 $_size_execute0_lowered;
	s5 =	sadd.s32 s5, s6;
	[dreg:$0x0] =	wrdreg $0x0  }
0xaa: {  	s6 =	sshll.u32 s28, $0x1;
	[dreg:$0x2] =	wrdreg s5  }
0xab: {  	[dreg:$0x3] =	wrdreg s6  }
0xac: {  	[dreg:$0x4] =	wrdreg $0xC0  }
0xad: {  	_ =	task [dreg:s9], $0x5FFFF  }
0xae: {  	[dreg:$0x1] =	wrdreg $0xFFFFFFFF  }
0xaf: {  	[dreg:$0x0] =	wrdreg $0x60  }
0xb0: {  	[dreg:$0x2] =	wrdreg s2  }
0xb1: {  	[dreg:$0x3] =	wrdreg s19  }
0xb2: {  	[dreg:$0x4] =	wrdreg s4  }
0xb3: {  	[dreg:$0x5] =	wrdreg $0x9  }
0xb4: {  	_ =	task.clear_ibuf [dreg:s9], $0x6FFFF;
	_ =	strace $0x90000046  }
0xb5: {  	s29 =	simm.s32 $0x9;
	_ =	strace $0x80000048  }
0xb6: {  	_ =	swait.ge [sflag:s29], $0x1  }
0xb7: {  	[sflag:s29] =	ssyncadd.s32 $0xFFFFFFFF  }
0xb8: {  	_ =	strace $0x90000048  }
0xb9: {  	_ =	sfence  }
0xba: {  	s30 =	sld [smem:$0x0];
	_ =	sdelay $0x2  }
0xbb: {  	s31 =	sshll.u32 s1, $0xD;
	s1 =	sshrl.u32 s1, $0x2  }
0xbc: {  	s3 =	sand.u32 $0x4000, s31;
	s1 =	sadd.s32 s1, s30  }
0xbd: {  	s0 =	sor.u32 s3, s0;
	s1 =	sshll.u32 s1, $0x11  }
0xbe: {  	s0 =	sor.u32 s1, s0  }
0xbf: {  	s0 =	sadd.s32 $0x8F2B, s0  }
0xc0: {  	[sflag:s0] =	ssyncadd.remote.s32 $0x1  }
0xc1: {  	_ =	sfence.sel $0xFFFF  }
0xc2: {  	[dreg:$0x0] =	wrdreg $0xFFFFFFFF;
	(pc) =	sbr.abs _section_cstart, $3  }
0xc3: {  	[dreg:$0x1] =	wrdreg $0xFFFFFFFF  }
0xc4: {  	_ =	task.clear_ibuf [dreg:s9], $0x2FFFF;
	_ =	strace $0x9FFFFFFF  }
0xc5: {  	(tm) =	ssettm $0x7FFFFFFF  }
tec
execute0_lowered:
.L_overlay_start_1:
0x0: {  	(tag) =	ssettag $0x1  }
0x1: {  	s2 =	srdreg.scid;
	s3 =	stileid.u32  }
0x2: {  	s1 =	rddreg [dreg:$0x0];
	s2 =	sand.u32 $0x1, s2;
	s5 =	sshll.u32 s3, $0x1  }
0x3: {  	s0 =	rddreg [dreg:$0x1];
	s5 =	sor.u32 s2, s5  }
0x4: {  	s4 =	rddreg [dreg:$0x2];
	s3 =	simm.s32 $0x0;
	s6 =	sshll.u32 s5, $0x5  }
0x5: {  	[smem:$0x7FF] =	sst s3;
	s5 =	sshll.u32 s5, $0xF;
	s0 =	sadd.s32 s0, s6  }
0x6: {  	_ =	strace $0x80000047;
	s11 =	sadd.s32 s4, s5;
	[dreg:$0x4] =	wrdreg s0  }
0x7: {  	s12 =	sadd.s32 $0x400, s11;
	[dreg:$0x14] =	wrdreg s11  }
0x8: {  	s9 =	simm.s32 $0x8200;
	s13 =	sadd.s32 $0x1000, s11;
	[dreg:$0x5] =	wrdreg s12  }
0x9: {  	s10 =	simm.s32 $0x11A00;
	s14 =	sadd.s32 $0x1400, s11;
	[dreg:$0x6] =	wrdreg s13  }
0xa: {  	s29 =	simm.s32 $0x16A00;
	s15 =	sadd.s32 $0x2000, s11;
	[dreg:$0x7] =	wrdreg s14  }
0xb: {  	s30 =	simm.s32 $0x17200;
	s16 =	sadd.s32 $0x2400, s11;
	[dreg:$0x8] =	wrdreg s15  }
0xc: {  	s31 =	simm.s32 $0x17A00;
	s17 =	sadd.s32 $0x3000, s11;
	[dreg:$0x9] =	wrdreg s16  }
0xd: {  	s7 =	sadd.s32 $0x300, s1;
	s18 =	sadd.s32 $0x3400, s11;
	[dreg:$0xa] =	wrdreg s17  }
0xe: {  	s2 =	ssub.s32 $0x2, s2;
	s19 =	sadd.s32 $0x4000, s11;
	[dreg:$0xb] =	wrdreg s18  }
0xf: {  	s24 =	sshrl.u32 s2, $0x1;
	s20 =	sadd.s32 $0x4400, s11;
	[dreg:$0xc] =	wrdreg s19  }
0x10: {  	s2 =	ssub.s32 s2, s24;
	s21 =	sadd.s32 $0x5000, s11;
	[dreg:$0xd] =	wrdreg s20  }
0x11: {  	s5 =	sadd.s32 $0x100, s1;
	s22 =	sadd.s32 $0x5400, s11;
	[dreg:$0xe] =	wrdreg s21  }
0x12: {  	s6 =	sadd.s32 $0x200, s1;
	s23 =	sadd.s32 $0x6000, s11;
	[dreg:$0xf] =	wrdreg s22  }
0x13: {  	s24 =	simm.s32 $0x2;
	s25 =	sadd.s32 $0x6400, s11;
	[dreg:$0x10] =	wrdreg s23  }
0x14: {  	s4 =	simm.s32 $0xC200;
	s26 =	sadd.s32 $0x7000, s11;
	[dreg:$0x11] =	wrdreg s25  }
0x15: {  	s28 =	sadd.s32 $0x7400, s11;
	s8 =	smax.u32 s2, $0x1;
	[dreg:$0x12] =	wrdreg s26  }
0x16: {  	v4 =	vlaneseq.u32;
	s11 =	simm.s32 $0x12200;
	[dreg:$0x13] =	wrdreg s28;
	s21 =	simm.s32 $0x1  }
0x17: {  	v0 =	vand.u32 $0x7, v4;
	s22 =	simm.s32 $0x2000;
	s23 =	simm.s32 $0x4000;
	s18 =	simm.s32 $0x200  }
0x18: {  	v1 =	vmul.u32 $0x2, v0;
	s26 =	simm.s32 $0x4200;
	s15 =	simm.s32 $0x10A00;
	s12 =	simm.s32 $0x12A00  }
0x19: {  	vm0 =	vmmov $0xff;
	vm1 =	vmmov $0xffff;
	v3 =	vshrl.u32 v4, $0x3;
	s13 =	simm.s32 $0x13200;
	s14 =	simm.s32 $0x13A00;
	s16 =	simm.s32 $0x14A00  }
0x1a: {  	v4 =	vor.u32 $0x8, v4;
	v3 =	vmul.u32 $0x8, v3;
	v2 =	vor.u32 $0x1, v1;
	s17 =	simm.s32 $0x15200;
	s19 =	simm.s32 $0x15A00;
	s20 =	simm.s32 $0x16200  }
.LBB2_1:
0x1b: {  	s25 =	rddreg [dreg:$0x4];
	s2 =	simm.s32 $0x3  }
0x1c: {  	[tilespmem:s3], [sflag:$0x3] =	stream.linear.gather [hbm4b:s25+s3], $0x100, $0x38;
	[tilespmem:$0x18200] =	vst v63  }
0x1d: {  	_ =	swait.ge [sflag:s2], $0x100  }
0x1e: {  	[sflag:s2] =	ssyncset.done $0x0  }
0x1f: {  	[sflag:s2] =	ssyncadd.s32 $0xFFFFFF00  }
0x20: {  	v5 =	vld [tilespmem:$0x0]  }
0x21: {  	v6 =	vld [tilespmem:$0x10]  }
0x22: {  	v7 =	vld [tilespmem:$0x20]  }
0x23: {  	v8 =	vld [tilespmem:$0x30]  }
0x24: {  	v9 =	vld [tilespmem:$0x40]  }
0x25: {  	v10 =	vld [tilespmem:$0x50]  }
0x26: {  	v13 =	vld [tilespmem:$0x60]  }
0x27: {  	v14 =	vld [tilespmem:$0x70];
	v11 =	vperm.xlane v5, v1;
	v12 =	vperm.xlane v6, v1  }
0x28: {  	v17 =	vld [tilespmem:$0x80];
	v5 =	vperm.xlane v5, v2;
	v6 =	vperm.xlane v6, v2  }
0x29: {  	v18 =	vld [tilespmem:$0x90];
	v15 =	vperm.xlane v7, v1;
	v16 =	vperm.xlane v8, v1  }
0x2a: {  	v7 =	vperm.xlane v7, v2;
	v8 =	vperm.xlane v8, v2  }
0x2b: {  	v46 =	vld [tilespmem:$0xA0];
	v19 =	vperm.xlane v9, v1;
	v20 =	vperm.xlane v10, v1  }
0x2c: {  	v53 =	vld [tilespmem:$0xD0];
	v43 =	vperm.xlane v10, v2;
	v44 =	vperm.xlane v13, v1;
	v5 =	vsel vm0, v5, v6  }
0x2d: {  	v45 =	vperm.xlane v14, v1;
	v47 =	vperm.xlane v14, v2;
	v11 =	vsel vm0, v11, v12;
	[tilespmem:$0x110] =	vst v5  }
0x2e: {  	v49 =	vperm.xlane v17, v1;
	v50 =	vperm.xlane v18, v1;
	v5 =	vsel vm0, v15, v16;
	[tilespmem:$0x100] =	vst v11  }
0x2f: {  	v48 =	vld [tilespmem:$0xB0];
	v52 =	vperm.xlane v18, v2;
	v6 =	vperm.xlane v9, v2;
	[tilespmem:$0x120] =	vst v5;
	v5 =	vsel vm0, v7, v8  }
0x30: {  	v54 =	vperm.xlane v46, v1;
	v7 =	vperm.xlane v13, v2;
	[tilespmem:$0x130] =	vst v5;
	v5 =	vsel vm0, v19, v20  }
0x31: {  	v51 =	vld [tilespmem:$0xC0];
	v56 =	vperm.xlane v46, v2;
	v59 =	vperm.xlane v53, v1;
	[tilespmem:$0x140] =	vst v5;
	v5 =	vsel vm0, v6, v43  }
0x32: {  	v57 =	vld [tilespmem:$0xF0];
	v61 =	vperm.xlane v53, v2;
	v58 =	vshll.u32 v11, $0x3;
	v7 =	vsel vm0, v7, v47;
	[tilespmem:$0x150] =	vst v5  }
0x33: {  	v55 =	vld [tilespmem:$0xE0];
	v11 =	vand.u32 $0x7, v11;
	v6 =	vperm.xlane v17, v2;
	v5 =	vsel vm0, v44, v45;
	[tilespmem:$0x170] =	vst v7  }
0x34: {  	v14 =	vand.u32 $0xFFFFFFC0, v58;
	v7 =	vperm.xlane v48, v1;
	[tilespmem:$0x160] =	vst v5;
	v5 =	vsel vm0, v49, v50  }
0x35: {  	v13 =	vperm.xlane v48, v2;
	v11 =	vor.u32 v11, v14;
	v6 =	vsel vm0, v6, v52;
	[tilespmem:$0x180] =	vst v5  }
0x36: {  	v60 =	vperm.xlane v11, v0;
	v5 =	vperm.xlane v51, v1;
	[tilespmem:$0x190] =	vst v6;
	v6 =	vsel vm0, v54, v7  }
0x37: {  	v62 =	vperm.xlane v57, v1;
	v7 =	vsel vm0, v56, v13;
	[tilespmem:$0x1A0] =	vst v6;
	v6 =	vperm.xlane v51, v2  }
0x38: {  	v8 =	vadd.s32 v3, v60;
	[tilespmem:$0x1B0] =	vst v7;
	v7 =	vperm.xlane v55, v1;
	v5 =	vsel vm0, v5, v59  }
0x39: {  	v63 =	vperm.xlane v57, v2;
	[tilespmem:$0x1C0] =	vst v5;
	v5 =	vsel vm0, v6, v61;
	v6 =	vperm.xlane v55, v2  }
0x3a: {  	[tilespmem:$0x1D0] =	vst v5;
	v5 =	vsel vm0, v7, v62  }
0x3b: {  	[tilespmem:$0x1E0] =	vst v5;
	v5 =	vsel vm0, v6, v63  }
0x3c: {  	[tilespmem:$0x1F0] =	vst v5  }
0x3d: {  	[tilespmem:s18], [sflag:$0x1] =	stream.indirect_vreg.gather [hbm4b:s1+s3], $0x80, v8, vm1, $0xb8;
	[tilespmem:$0x18200] =	vst v63  }
0x3e: {  	s0 =	simm.s32 $0xA00;
	v5 =	vperm.xlane v11, v4  }
0x3f: {  	[tilespmem:s0], [sflag:$0x1] =	stream.indirect_vreg.gather [hbm4b:s5+s3], $0x80, v8, vm1, $0xb8;
	[tilespmem:$0x18200] =	vst v63  }
0x40: {  	s28 =	simm.s32 $0x1200;
	v5 =	vadd.s32 v3, v5  }
0x41: {  	[tilespmem:s28], [sflag:$0x1] =	stream.indirect_vreg.gather [hbm4b:s6+s3], $0x80, v8, vm1, $0xb8;
	[tilespmem:$0x18200] =	vst v63  }
0x42: {  	s2 =	simm.s32 $0x1A00  }
0x43: {  	[tilespmem:s2], [sflag:$0x1] =	stream.indirect_vreg.gather [hbm4b:s7+s3], $0x80, v8, vm1, $0xb8;
	[tilespmem:$0x18200] =	vst v63  }
0x44: {  	s25 =	simm.s32 $0x2200  }
0x45: {  	[tilespmem:s25], [sflag:$0x1] =	stream.indirect_vreg.gather [hbm4b:s1+s3], $0x80, v5, vm1, $0xb8;
	[tilespmem:$0x18200] =	vst v63  }
0x46: {  	s28 =	simm.s32 $0x2A00  }
0x47: {  	[tilespmem:s28], [sflag:$0x1] =	stream.indirect_vreg.gather [hbm4b:s5+s3], $0x80, v5, vm1, $0xb8;
	[tilespmem:$0x18200] =	vst v63  }
0x48: {  	s2 =	simm.s32 $0x3200  }
0x49: {  	[tilespmem:s2], [sflag:$0x1] =	stream.indirect_vreg.gather [hbm4b:s6+s3], $0x80, v5, vm1, $0xb8;
	[tilespmem:$0x18200] =	vst v63  }
0x4a: {  	s25 =	simm.s32 $0x3A00  }
0x4b: {  	[tilespmem:s25], [sflag:$0x1] =	stream.indirect_vreg.gather [hbm4b:s7+s3], $0x80, v5, vm1, $0xb8;
	[tilespmem:$0x18200] =	vst v63  }
0x4c: {  	v5 =	vld [tilespmem:$0x110];
	_ =	sdelay $0x4  }
0x4d: {  	v6 =	vshll.u32 v5, $0x3  }
0x4e: {  	v5 =	vand.u32 $0x7, v5;
	v6 =	vand.u32 $0xFFFFFFC0, v6  }
0x4f: {  	v5 =	vor.u32 v5, v6  }
0x50: {  	v6 =	vperm.xlane v5, v0;
	_ =	sdelay $0x1  }
0x51: {  	v6 =	vadd.s32 v3, v6;
	_ =	sdelay $0x4  }
0x52: {  	[tilespmem:s26], [sflag:$0x1] =	stream.indirect_vreg.gather [hbm4b:s1+s3], $0x80, v6, vm1, $0xb8;
	[tilespmem:$0x18200] =	vst v63  }
0x53: {  	s28 =	simm.s32 $0x4A00;
	v5 =	vperm.xlane v5, v4  }
0x54: {  	[tilespmem:s28], [sflag:$0x1] =	stream.indirect_vreg.gather [hbm4b:s5+s3], $0x80, v6, vm1, $0xb8;
	[tilespmem:$0x18200] =	vst v63  }
0x55: {  	s2 =	simm.s32 $0x5200;
	v5 =	vadd.s32 v3, v5  }
0x56: {  	[tilespmem:s2], [sflag:$0x1] =	stream.indirect_vreg.gather [hbm4b:s6+s3], $0x80, v6, vm1, $0xb8;
	[tilespmem:$0x18200] =	vst v63  }
0x57: {  	s25 =	simm.s32 $0x5A00  }
0x58: {  	[tilespmem:s25], [sflag:$0x1] =	stream.indirect_vreg.gather [hbm4b:s7+s3], $0x80, v6, vm1, $0xb8;
	[tilespmem:$0x18200] =	vst v63  }
0x59: {  	s28 =	simm.s32 $0x6200  }
0x5a: {  	[tilespmem:s28], [sflag:$0x1] =	stream.indirect_vreg.gather [hbm4b:s1+s3], $0x80, v5, vm1, $0xb8;
	[tilespmem:$0x18200] =	vst v63  }
0x5b: {  	s2 =	simm.s32 $0x6A00  }
0x5c: {  	[tilespmem:s2], [sflag:$0x1] =	stream.indirect_vreg.gather [hbm4b:s5+s3], $0x80, v5, vm1, $0xb8;
	[tilespmem:$0x18200] =	vst v63  }
0x5d: {  	s25 =	simm.s32 $0x7200  }
0x5e: {  	[tilespmem:s25], [sflag:$0x1] =	stream.indirect_vreg.gather [hbm4b:s6+s3], $0x80, v5, vm1, $0xb8;
	[tilespmem:$0x18200] =	vst v63  }
0x5f: {  	s28 =	simm.s32 $0x7A00  }
0x60: {  	[tilespmem:s28], [sflag:$0x1] =	stream.indirect_vreg.gather [hbm4b:s7+s3], $0x80, v5, vm1, $0xb8;
	[tilespmem:$0x18200] =	vst v63  }
0x61: {  	v5 =	vld [tilespmem:$0x120];
	_ =	sdelay $0x4  }
0x62: {  	v6 =	vshll.u32 v5, $0x3  }
0x63: {  	v5 =	vand.u32 $0x7, v5;
	v6 =	vand.u32 $0xFFFFFFC0, v6  }
0x64: {  	v5 =	vor.u32 v5, v6  }
0x65: {  	v6 =	vperm.xlane v5, v0;
	_ =	sdelay $0x1  }
0x66: {  	v6 =	vadd.s32 v3, v6;
	_ =	sdelay $0x4  }
0x67: {  	[tilespmem:s9], [sflag:$0x1] =	stream.indirect_vreg.gather [hbm4b:s1+s3], $0x80, v6, vm1, $0xb8;
	[tilespmem:$0x18200] =	vst v63  }
0x68: {  	s2 =	simm.s32 $0x8A00;
	v5 =	vperm.xlane v5, v4  }
0x69: {  	[tilespmem:s2], [sflag:$0x1] =	stream.indirect_vreg.gather [hbm4b:s5+s3], $0x80, v6, vm1, $0xb8;
	[tilespmem:$0x18200] =	vst v63  }
0x6a: {  	s25 =	simm.s32 $0x9200;
	v5 =	vadd.s32 v3, v5  }
0x6b: {  	[tilespmem:s25], [sflag:$0x1] =	stream.indirect_vreg.gather [hbm4b:s6+s3], $0x80, v6, vm1, $0xb8;
	[tilespmem:$0x18200] =	vst v63  }
0x6c: {  	s28 =	simm.s32 $0x9A00  }
0x6d: {  	[tilespmem:s28], [sflag:$0x1] =	stream.indirect_vreg.gather [hbm4b:s7+s3], $0x80, v6, vm1, $0xb8;
	[tilespmem:$0x18200] =	vst v63  }
0x6e: {  	s2 =	simm.s32 $0xA200  }
0x6f: {  	[tilespmem:s2], [sflag:$0x1] =	stream.indirect_vreg.gather [hbm4b:s1+s3], $0x80, v5, vm1, $0xb8;
	[tilespmem:$0x18200] =	vst v63  }
0x70: {  	s25 =	simm.s32 $0xAA00  }
0x71: {  	[tilespmem:s25], [sflag:$0x1] =	stream.indirect_vreg.gather [hbm4b:s5+s3], $0x80, v5, vm1, $0xb8;
	[tilespmem:$0x18200] =	vst v63  }
0x72: {  	s28 =	simm.s32 $0xB200  }
0x73: {  	[tilespmem:s28], [sflag:$0x1] =	stream.indirect_vreg.gather [hbm4b:s6+s3], $0x80, v5, vm1, $0xb8;
	[tilespmem:$0x18200] =	vst v63  }
0x74: {  	s2 =	simm.s32 $0xBA00  }
0x75: {  	[tilespmem:s2], [sflag:$0x1] =	stream.indirect_vreg.gather [hbm4b:s7+s3], $0x80, v5, vm1, $0xb8;
	[tilespmem:$0x18200] =	vst v63  }
0x76: {  	v5 =	vld [tilespmem:$0x130];
	_ =	sdelay $0x4  }
0x77: {  	v6 =	vshll.u32 v5, $0x3  }
0x78: {  	v5 =	vand.u32 $0x7, v5;
	v6 =	vand.u32 $0xFFFFFFC0, v6  }
0x79: {  	v5 =	vor.u32 v5, v6  }
0x7a: {  	v6 =	vperm.xlane v5, v0;
	_ =	sdelay $0x1  }
0x7b: {  	v6 =	vadd.s32 v3, v6;
	_ =	sdelay $0x4  }
0x7c: {  	[tilespmem:s4], [sflag:$0x1] =	stream.indirect_vreg.gather [hbm4b:s1+s3], $0x80, v6, vm1, $0xb8;
	[tilespmem:$0x18200] =	vst v63  }
0x7d: {  	s2 =	simm.s32 $0xCA00;
	v5 =	vperm.xlane v5, v4  }
0x7e: {  	[tilespmem:s2], [sflag:$0x1] =	stream.indirect_vreg.gather [hbm4b:s5+s3], $0x80, v6, vm1, $0xb8;
	[tilespmem:$0x18200] =	vst v63  }
0x7f: {  	s25 =	simm.s32 $0xD200;
	v5 =	vadd.s32 v3, v5  }
0x80: {  	[tilespmem:s25], [sflag:$0x1] =	stream.indirect_vreg.gather [hbm4b:s6+s3], $0x80, v6, vm1, $0xb8;
	[tilespmem:$0x18200] =	vst v63  }
0x81: {  	s28 =	simm.s32 $0xDA00  }
0x82: {  	[tilespmem:s28], [sflag:$0x1] =	stream.indirect_vreg.gather [hbm4b:s7+s3], $0x80, v6, vm1, $0xb8;
	[tilespmem:$0x18200] =	vst v63  }
0x83: {  	s0 =	simm.s32 $0xE200  }
0x84: {  	[tilespmem:s0], [sflag:$0x1] =	stream.indirect_vreg.gather [hbm4b:s1+s3], $0x80, v5, vm1, $0xb8;
	[tilespmem:$0x18200] =	vst v63  }
0x85: {  	s25 =	simm.s32 $0xEA00  }
0x86: {  	[tilespmem:s25], [sflag:$0x1] =	stream.indirect_vreg.gather [hbm4b:s5+s3], $0x80, v5, vm1, $0xb8;
	[tilespmem:$0x18200] =	vst v63  }
0x87: {  	s28 =	simm.s32 $0xF200  }
0x88: {  	[tilespmem:s28], [sflag:$0x1] =	stream.indirect_vreg.gather [hbm4b:s6+s3], $0x80, v5, vm1, $0xb8;
	[tilespmem:$0x18200] =	vst v63  }
0x89: {  	s0 =	simm.s32 $0xFA00  }
0x8a: {  	[tilespmem:s0], [sflag:$0x1] =	stream.indirect_vreg.gather [hbm4b:s7+s3], $0x80, v5, vm1, $0xb8;
	[tilespmem:$0x18200] =	vst v63  }
0x8b: {  	v5 =	vld [tilespmem:$0x140];
	_ =	sdelay $0x4  }
0x8c: {  	v6 =	vshll.u32 v5, $0x3  }
0x8d: {  	v5 =	vand.u32 $0x7, v5;
	v6 =	vand.u32 $0xFFFFFFC0, v6  }
0x8e: {  	v5 =	vor.u32 v5, v6  }
0x8f: {  	v6 =	vperm.xlane v5, v0;
	_ =	sdelay $0x1  }
0x90: {  	v6 =	vadd.s32 v3, v6;
	_ =	sdelay $0x3  }
0x91: {  	s25 =	simm.s32 $0x10200  }
0x92: {  	[tilespmem:s25], [sflag:$0x1] =	stream.indirect_vreg.gather [hbm4b:s1+s3], $0x80, v6, vm1, $0xb8;
	[tilespmem:$0x18200] =	vst v63  }
0x93: {  	v5 =	vperm.xlane v5, v4  }
0x94: {  	[tilespmem:s15], [sflag:$0x1] =	stream.indirect_vreg.gather [hbm4b:s5+s3], $0x80, v6, vm1, $0xb8;
	[tilespmem:$0x18200] =	vst v63  }
0x95: {  	s28 =	simm.s32 $0x11200;
	v5 =	vadd.s32 v3, v5  }
0x96: {  	[tilespmem:s28], [sflag:$0x1] =	stream.indirect_vreg.gather [hbm4b:s6+s3], $0x80, v6, vm1, $0xb8;
	[tilespmem:$0x18200] =	vst v63  }
0x97: {  	_ = 	snop  }
0x98: {  	[tilespmem:s10], [sflag:$0x1] =	stream.indirect_vreg.gather [hbm4b:s7+s3], $0x80, v6, vm1, $0xb8;
	[tilespmem:$0x18200] =	vst v63  }
0x99: {  	_ = 	snop  }
0x9a: {  	[tilespmem:s11], [sflag:$0x1] =	stream.indirect_vreg.gather [hbm4b:s1+s3], $0x80, v5, vm1, $0xb8;
	[tilespmem:$0x18200] =	vst v63  }
0x9b: {  	_ = 	snop  }
0x9c: {  	[tilespmem:s12], [sflag:$0x1] =	stream.indirect_vreg.gather [hbm4b:s5+s3], $0x80, v5, vm1, $0xb8;
	[tilespmem:$0x18200] =	vst v63  }
0x9d: {  	_ = 	snop  }
0x9e: {  	[tilespmem:s13], [sflag:$0x1] =	stream.indirect_vreg.gather [hbm4b:s6+s3], $0x80, v5, vm1, $0xb8;
	[tilespmem:$0x18200] =	vst v63  }
0x9f: {  	_ = 	snop  }
0xa0: {  	[tilespmem:s14], [sflag:$0x1] =	stream.indirect_vreg.gather [hbm4b:s7+s3], $0x80, v5, vm1, $0xb8;
	[tilespmem:$0x18200] =	vst v63  }
0xa1: {  	v5 =	vld [tilespmem:$0x150];
	_ =	sdelay $0x4  }
0xa2: {  	v6 =	vshll.u32 v5, $0x3  }
0xa3: {  	v5 =	vand.u32 $0x7, v5;
	v6 =	vand.u32 $0xFFFFFFC0, v6  }
0xa4: {  	v5 =	vor.u32 v5, v6  }
0xa5: {  	v6 =	vperm.xlane v5, v0;
	_ =	sdelay $0x1  }
0xa6: {  	v6 =	vadd.s32 v3, v6;
	_ =	sdelay $0x3  }
0xa7: {  	s2 =	simm.s32 $0x14200  }
0xa8: {  	[tilespmem:s2], [sflag:$0x1] =	stream.indirect_vreg.gather [hbm4b:s1+s3], $0x80, v6, vm1, $0xb8;
	[tilespmem:$0x18200] =	vst v63  }
0xa9: {  	v5 =	vperm.xlane v5, v4  }
0xaa: {  	[tilespmem:s16], [sflag:$0x1] =	stream.indirect_vreg.gather [hbm4b:s5+s3], $0x80, v6, vm1, $0xb8;
	[tilespmem:$0x18200] =	vst v63  }
0xab: {  	v5 =	vadd.s32 v3, v5  }
0xac: {  	[tilespmem:s17], [sflag:$0x1] =	stream.indirect_vreg.gather [hbm4b:s6+s3], $0x80, v6, vm1, $0xb8;
	[tilespmem:$0x18200] =	vst v63  }
0xad: {  	_ = 	snop  }
0xae: {  	[tilespmem:s19], [sflag:$0x1] =	stream.indirect_vreg.gather [hbm4b:s7+s3], $0x80, v6, vm1, $0xb8;
	[tilespmem:$0x18200] =	vst v63  }
0xaf: {  	_ = 	snop  }
0xb0: {  	[tilespmem:s20], [sflag:$0x1] =	stream.indirect_vreg.gather [hbm4b:s1+s3], $0x80, v5, vm1, $0xb8;
	[tilespmem:$0x18200] =	vst v63  }
0xb1: {  	_ = 	snop  }
0xb2: {  	[tilespmem:s29], [sflag:$0x1] =	stream.indirect_vreg.gather [hbm4b:s5+s3], $0x80, v5, vm1, $0xb8;
	[tilespmem:$0x18200] =	vst v63  }
0xb3: {  	_ = 	snop  }
0xb4: {  	[tilespmem:s30], [sflag:$0x1] =	stream.indirect_vreg.gather [hbm4b:s6+s3], $0x80, v5, vm1, $0xb8;
	[tilespmem:$0x18200] =	vst v63  }
0xb5: {  	_ = 	snop  }
0xb6: {  	[tilespmem:s31], [sflag:$0x1] =	stream.indirect_vreg.gather [hbm4b:s7+s3], $0x80, v5, vm1, $0xb8;
	[tilespmem:$0x18200] =	vst v63  }
0xb7: {  	_ =	swait.ge [sflag:s21], $0x8000  }
0xb8: {  	[sflag:s21] =	ssyncset.done $0x0  }
0xb9: {  	s28 =	rddreg [dreg:$0x14];
	[sflag:s21] =	ssyncadd.s32 $0xFFFF8000  }
0xba: {  	[hbm4b:s28+s22] =	stream.strided.scatter [tilespmem:s18], [sflag:$0x2], $0x4000, s23, s22, $0x38;
	[tilespmem:$0x18200] =	vst v63  }
0xbb: {  	s0 =	rddreg [dreg:$0x5]  }
0xbc: {  	[hbm4b:s0+s22] =	stream.strided.scatter [tilespmem:s26], [sflag:$0x2], $0x4000, s23, s22, $0x38;
	[tilespmem:$0x18200] =	vst v63  }
0xbd: {  	_ =	swait.ge [sflag:s24], $0x4000  }
0xbe: {  	[sflag:s24] =	ssyncset.done $0x0  }
0xbf: {  	[sflag:s24] =	ssyncadd.s32 $0xFFFFC000  }
0xc0: {  	_ =	swait.ge [sflag:s24], $0x4000  }
0xc1: {  	[sflag:s24] =	ssyncset.done $0x0  }
0xc2: {  	[sflag:s24] =	ssyncadd.s32 $0xFFFFC000  }
0xc3: {  	v5 =	vld [tilespmem:$0x160];
	_ =	sdelay $0x4  }
0xc4: {  	v6 =	vshll.u32 v5, $0x3  }
0xc5: {  	v5 =	vand.u32 $0x7, v5;
	v6 =	vand.u32 $0xFFFFFFC0, v6  }
0xc6: {  	v5 =	vor.u32 v5, v6  }
0xc7: {  	v6 =	vperm.xlane v5, v0;
	_ =	sdelay $0x1  }
0xc8: {  	v6 =	vadd.s32 v3, v6;
	_ =	sdelay $0x4  }
0xc9: {  	[tilespmem:s18], [sflag:$0x1] =	stream.indirect_vreg.gather [hbm4b:s1+s3], $0x80, v6, vm1, $0xb8;
	[tilespmem:$0x18200] =	vst v63  }
0xca: {  	s25 =	simm.s32 $0xA00;
	v5 =	vperm.xlane v5, v4  }
0xcb: {  	[tilespmem:s25], [sflag:$0x1] =	stream.indirect_vreg.gather [hbm4b:s5+s3], $0x80, v6, vm1, $0xb8;
	[tilespmem:$0x18200] =	vst v63  }
0xcc: {  	s28 =	simm.s32 $0x1200;
	v5 =	vadd.s32 v3, v5  }
0xcd: {  	[tilespmem:s28], [sflag:$0x1] =	stream.indirect_vreg.gather [hbm4b:s6+s3], $0x80, v6, vm1, $0xb8;
	[tilespmem:$0x18200] =	vst v63  }
0xce: {  	s25 =	simm.s32 $0x1A00  }
0xcf: {  	[tilespmem:s25], [sflag:$0x1] =	stream.indirect_vreg.gather [hbm4b:s7+s3], $0x80, v6, vm1, $0xb8;
	[tilespmem:$0x18200] =	vst v63  }
0xd0: {  	s28 =	simm.s32 $0x2200  }
0xd1: {  	[tilespmem:s28], [sflag:$0x1] =	stream.indirect_vreg.gather [hbm4b:s1+s3], $0x80, v5, vm1, $0xb8;
	[tilespmem:$0x18200] =	vst v63  }
0xd2: {  	s25 =	simm.s32 $0x2A00  }
0xd3: {  	[tilespmem:s25], [sflag:$0x1] =	stream.indirect_vreg.gather [hbm4b:s5+s3], $0x80, v5, vm1, $0xb8;
	[tilespmem:$0x18200] =	vst v63  }
0xd4: {  	s28 =	simm.s32 $0x3200  }
0xd5: {  	[tilespmem:s28], [sflag:$0x1] =	stream.indirect_vreg.gather [hbm4b:s6+s3], $0x80, v5, vm1, $0xb8;
	[tilespmem:$0x18200] =	vst v63  }
0xd6: {  	s25 =	simm.s32 $0x3A00  }
0xd7: {  	[tilespmem:s25], [sflag:$0x1] =	stream.indirect_vreg.gather [hbm4b:s7+s3], $0x80, v5, vm1, $0xb8;
	[tilespmem:$0x18200] =	vst v63  }
0xd8: {  	v5 =	vld [tilespmem:$0x170];
	_ =	sdelay $0x4  }
0xd9: {  	v6 =	vshll.u32 v5, $0x3  }
0xda: {  	v5 =	vand.u32 $0x7, v5;
	v6 =	vand.u32 $0xFFFFFFC0, v6  }
0xdb: {  	v5 =	vor.u32 v5, v6  }
0xdc: {  	v6 =	vperm.xlane v5, v0;
	_ =	sdelay $0x1  }
0xdd: {  	v6 =	vadd.s32 v3, v6;
	_ =	sdelay $0x4  }
0xde: {  	[tilespmem:s26], [sflag:$0x1] =	stream.indirect_vreg.gather [hbm4b:s1+s3], $0x80, v6, vm1, $0xb8;
	[tilespmem:$0x18200] =	vst v63  }
0xdf: {  	s28 =	simm.s32 $0x4A00;
	v5 =	vperm.xlane v5, v4  }
0xe0: {  	[tilespmem:s28], [sflag:$0x1] =	stream.indirect_vreg.gather [hbm4b:s5+s3], $0x80, v6, vm1, $0xb8;
	[tilespmem:$0x18200] =	vst v63  }
0xe1: {  	s25 =	simm.s32 $0x5200;
	v5 =	vadd.s32 v3, v5  }
0xe2: {  	[tilespmem:s25], [sflag:$0x1] =	stream.indirect_vreg.gather [hbm4b:s6+s3], $0x80, v6, vm1, $0xb8;
	[tilespmem:$0x18200] =	vst v63  }
0xe3: {  	s28 =	simm.s32 $0x5A00  }
0xe4: {  	[tilespmem:s28], [sflag:$0x1] =	stream.indirect_vreg.gather [hbm4b:s7+s3], $0x80, v6, vm1, $0xb8;
	[tilespmem:$0x18200] =	vst v63  }
0xe5: {  	s25 =	simm.s32 $0x6200  }
0xe6: {  	[tilespmem:s25], [sflag:$0x1] =	stream.indirect_vreg.gather [hbm4b:s1+s3], $0x80, v5, vm1, $0xb8;
	[tilespmem:$0x18200] =	vst v63  }
0xe7: {  	s28 =	simm.s32 $0x6A00  }
0xe8: {  	[tilespmem:s28], [sflag:$0x1] =	stream.indirect_vreg.gather [hbm4b:s5+s3], $0x80, v5, vm1, $0xb8;
	[tilespmem:$0x18200] =	vst v63  }
0xe9: {  	s25 =	simm.s32 $0x7200  }
0xea: {  	[tilespmem:s25], [sflag:$0x1] =	stream.indirect_vreg.gather [hbm4b:s6+s3], $0x80, v5, vm1, $0xb8;
	[tilespmem:$0x18200] =	vst v63  }
0xeb: {  	s28 =	simm.s32 $0x7A00  }
0xec: {  	[tilespmem:s28], [sflag:$0x1] =	stream.indirect_vreg.gather [hbm4b:s7+s3], $0x80, v5, vm1, $0xb8;
	[tilespmem:$0x18200] =	vst v63  }
0xed: {  	_ =	swait.ge [sflag:s21], $0x8000  }
0xee: {  	[sflag:s21] =	ssyncset.done $0x0  }
0xef: {  	s25 =	rddreg [dreg:$0x6];
	[sflag:s21] =	ssyncadd.s32 $0xFFFF8000  }
0xf0: {  	[hbm4b:s25+s22] =	stream.strided.scatter [tilespmem:s9], [sflag:$0x2], $0x4000, s23, s22, $0x38;
	[tilespmem:$0x18200] =	vst v63  }
0xf1: {  	s0 =	rddreg [dreg:$0x7]  }
0xf2: {  	[hbm4b:s0+s22] =	stream.strided.scatter [tilespmem:s4], [sflag:$0x2], $0x4000, s23, s22, $0x38;
	[tilespmem:$0x18200] =	vst v63  }
0xf3: {  	_ =	swait.ge [sflag:s24], $0x4000  }
0xf4: {  	[sflag:s24] =	ssyncset.done $0x0  }
0xf5: {  	[sflag:s24] =	ssyncadd.s32 $0xFFFFC000  }
0xf6: {  	_ =	swait.ge [sflag:s24], $0x4000  }
0xf7: {  	[sflag:s24] =	ssyncset.done $0x0  }
0xf8: {  	[sflag:s24] =	ssyncadd.s32 $0xFFFFC000  }
0xf9: {  	v5 =	vld [tilespmem:$0x180];
	_ =	sdelay $0x4  }
0xfa: {  	v6 =	vshll.u32 v5, $0x3  }
0xfb: {  	v5 =	vand.u32 $0x7, v5;
	v6 =	vand.u32 $0xFFFFFFC0, v6  }
0xfc: {  	v5 =	vor.u32 v5, v6  }
0xfd: {  	v6 =	vperm.xlane v5, v0;
	_ =	sdelay $0x1  }
0xfe: {  	v6 =	vadd.s32 v3, v6;
	_ =	sdelay $0x4  }
0xff: {  	[tilespmem:s9], [sflag:$0x1] =	stream.indirect_vreg.gather [hbm4b:s1+s3], $0x80, v6, vm1, $0xb8;
	[tilespmem:$0x18200] =	vst v63  }
0x100: {  	s28 =	simm.s32 $0x8A00;
	v5 =	vperm.xlane v5, v4  }
0x101: {  	[tilespmem:s28], [sflag:$0x1] =	stream.indirect_vreg.gather [hbm4b:s5+s3], $0x80, v6, vm1, $0xb8;
	[tilespmem:$0x18200] =	vst v63  }
0x102: {  	s0 =	simm.s32 $0x9200;
	v5 =	vadd.s32 v3, v5  }
0x103: {  	[tilespmem:s0], [sflag:$0x1] =	stream.indirect_vreg.gather [hbm4b:s6+s3], $0x80, v6, vm1, $0xb8;
	[tilespmem:$0x18200] =	vst v63  }
0x104: {  	s28 =	simm.s32 $0x9A00  }
0x105: {  	[tilespmem:s28], [sflag:$0x1] =	stream.indirect_vreg.gather [hbm4b:s7+s3], $0x80, v6, vm1, $0xb8;
	[tilespmem:$0x18200] =	vst v63  }
0x106: {  	s0 =	simm.s32 $0xA200  }
0x107: {  	[tilespmem:s0], [sflag:$0x1] =	stream.indirect_vreg.gather [hbm4b:s1+s3], $0x80, v5, vm1, $0xb8;
	[tilespmem:$0x18200] =	vst v63  }
0x108: {  	s28 =	simm.s32 $0xAA00  }
0x109: {  	[tilespmem:s28], [sflag:$0x1] =	stream.indirect_vreg.gather [hbm4b:s5+s3], $0x80, v5, vm1, $0xb8;
	[tilespmem:$0x18200] =	vst v63  }
0x10a: {  	s0 =	simm.s32 $0xB200  }
0x10b: {  	[tilespmem:s0], [sflag:$0x1] =	stream.indirect_vreg.gather [hbm4b:s6+s3], $0x80, v5, vm1, $0xb8;
	[tilespmem:$0x18200] =	vst v63  }
0x10c: {  	s28 =	simm.s32 $0xBA00  }
0x10d: {  	[tilespmem:s28], [sflag:$0x1] =	stream.indirect_vreg.gather [hbm4b:s7+s3], $0x80, v5, vm1, $0xb8;
	[tilespmem:$0x18200] =	vst v63  }
0x10e: {  	v5 =	vld [tilespmem:$0x190];
	_ =	sdelay $0x4  }
0x10f: {  	v6 =	vshll.u32 v5, $0x3  }
0x110: {  	v5 =	vand.u32 $0x7, v5;
	v6 =	vand.u32 $0xFFFFFFC0, v6  }
0x111: {  	v5 =	vor.u32 v5, v6  }
0x112: {  	v6 =	vperm.xlane v5, v0;
	_ =	sdelay $0x1  }
0x113: {  	v6 =	vadd.s32 v3, v6;
	_ =	sdelay $0x4  }
0x114: {  	[tilespmem:s4], [sflag:$0x1] =	stream.indirect_vreg.gather [hbm4b:s1+s3], $0x80, v6, vm1, $0xb8;
	[tilespmem:$0x18200] =	vst v63  }
0x115: {  	s0 =	simm.s32 $0xCA00;
	v5 =	vperm.xlane v5, v4  }
0x116: {  	[tilespmem:s0], [sflag:$0x1] =	stream.indirect_vreg.gather [hbm4b:s5+s3], $0x80, v6, vm1, $0xb8;
	[tilespmem:$0x18200] =	vst v63  }
0x117: {  	s28 =	simm.s32 $0xD200;
	v5 =	vadd.s32 v3, v5  }
0x118: {  	[tilespmem:s28], [sflag:$0x1] =	stream.indirect_vreg.gather [hbm4b:s6+s3], $0x80, v6, vm1, $0xb8;
	[tilespmem:$0x18200] =	vst v63  }
0x119: {  	s0 =	simm.s32 $0xDA00  }
0x11a: {  	[tilespmem:s0], [sflag:$0x1] =	stream.indirect_vreg.gather [hbm4b:s7+s3], $0x80, v6, vm1, $0xb8;
	[tilespmem:$0x18200] =	vst v63  }
0x11b: {  	s28 =	simm.s32 $0xE200  }
0x11c: {  	[tilespmem:s28], [sflag:$0x1] =	stream.indirect_vreg.gather [hbm4b:s1+s3], $0x80, v5, vm1, $0xb8;
	[tilespmem:$0x18200] =	vst v63  }
0x11d: {  	s0 =	simm.s32 $0xEA00  }
0x11e: {  	[tilespmem:s0], [sflag:$0x1] =	stream.indirect_vreg.gather [hbm4b:s5+s3], $0x80, v5, vm1, $0xb8;
	[tilespmem:$0x18200] =	vst v63  }
0x11f: {  	s28 =	simm.s32 $0xF200  }
0x120: {  	[tilespmem:s28], [sflag:$0x1] =	stream.indirect_vreg.gather [hbm4b:s6+s3], $0x80, v5, vm1, $0xb8;
	[tilespmem:$0x18200] =	vst v63  }
0x121: {  	s0 =	simm.s32 $0xFA00  }
0x122: {  	[tilespmem:s0], [sflag:$0x1] =	stream.indirect_vreg.gather [hbm4b:s7+s3], $0x80, v5, vm1, $0xb8;
	[tilespmem:$0x18200] =	vst v63  }
0x123: {  	_ =	swait.ge [sflag:s21], $0x8000  }
0x124: {  	[sflag:s21] =	ssyncset.done $0x0  }
0x125: {  	s0 =	simm.s32 $0x10200;
	s25 =	rddreg [dreg:$0x8];
	[sflag:s21] =	ssyncadd.s32 $0xFFFF8000  }
0x126: {  	[hbm4b:s25+s22] =	stream.strided.scatter [tilespmem:s0], [sflag:$0x2], $0x4000, s23, s22, $0x38;
	[tilespmem:$0x18200] =	vst v63  }
0x127: {  	s28 =	rddreg [dreg:$0x9]  }
0x128: {  	[hbm4b:s28+s22] =	stream.strided.scatter [tilespmem:s2], [sflag:$0x2], $0x4000, s23, s22, $0x38;
	[tilespmem:$0x18200] =	vst v63  }
0x129: {  	_ =	swait.ge [sflag:s24], $0x4000  }
0x12a: {  	[sflag:s24] =	ssyncset.done $0x0  }
0x12b: {  	[sflag:s24] =	ssyncadd.s32 $0xFFFFC000  }
0x12c: {  	_ =	swait.ge [sflag:s24], $0x4000  }
0x12d: {  	[sflag:s24] =	ssyncset.done $0x0  }
0x12e: {  	[sflag:s24] =	ssyncadd.s32 $0xFFFFC000  }
0x12f: {  	v5 =	vld [tilespmem:$0x1A0];
	_ =	sdelay $0x4  }
0x130: {  	v6 =	vshll.u32 v5, $0x3  }
0x131: {  	v5 =	vand.u32 $0x7, v5;
	v6 =	vand.u32 $0xFFFFFFC0, v6  }
0x132: {  	v5 =	vor.u32 v5, v6  }
0x133: {  	v6 =	vperm.xlane v5, v0;
	_ =	sdelay $0x1  }
0x134: {  	v6 =	vadd.s32 v3, v6;
	_ =	sdelay $0x4  }
0x135: {  	[tilespmem:s0], [sflag:$0x1] =	stream.indirect_vreg.gather [hbm4b:s1+s3], $0x80, v6, vm1, $0xb8;
	[tilespmem:$0x18200] =	vst v63  }
0x136: {  	v5 =	vperm.xlane v5, v4  }
0x137: {  	[tilespmem:s15], [sflag:$0x1] =	stream.indirect_vreg.gather [hbm4b:s5+s3], $0x80, v6, vm1, $0xb8;
	[tilespmem:$0x18200] =	vst v63  }
0x138: {  	s28 =	simm.s32 $0x11200;
	v5 =	vadd.s32 v3, v5  }
0x139: {  	[tilespmem:s28], [sflag:$0x1] =	stream.indirect_vreg.gather [hbm4b:s6+s3], $0x80, v6, vm1, $0xb8;
	[tilespmem:$0x18200] =	vst v63  }
0x13a: {  	_ = 	snop  }
0x13b: {  	[tilespmem:s10], [sflag:$0x1] =	stream.indirect_vreg.gather [hbm4b:s7+s3], $0x80, v6, vm1, $0xb8;
	[tilespmem:$0x18200] =	vst v63  }
0x13c: {  	_ = 	snop  }
0x13d: {  	[tilespmem:s11], [sflag:$0x1] =	stream.indirect_vreg.gather [hbm4b:s1+s3], $0x80, v5, vm1, $0xb8;
	[tilespmem:$0x18200] =	vst v63  }
0x13e: {  	_ = 	snop  }
0x13f: {  	[tilespmem:s12], [sflag:$0x1] =	stream.indirect_vreg.gather [hbm4b:s5+s3], $0x80, v5, vm1, $0xb8;
	[tilespmem:$0x18200] =	vst v63  }
0x140: {  	_ = 	snop  }
0x141: {  	[tilespmem:s13], [sflag:$0x1] =	stream.indirect_vreg.gather [hbm4b:s6+s3], $0x80, v5, vm1, $0xb8;
	[tilespmem:$0x18200] =	vst v63  }
0x142: {  	_ = 	snop  }
0x143: {  	[tilespmem:s14], [sflag:$0x1] =	stream.indirect_vreg.gather [hbm4b:s7+s3], $0x80, v5, vm1, $0xb8;
	[tilespmem:$0x18200] =	vst v63  }
0x144: {  	v5 =	vld [tilespmem:$0x1B0];
	_ =	sdelay $0x4  }
0x145: {  	v6 =	vshll.u32 v5, $0x3  }
0x146: {  	v5 =	vand.u32 $0x7, v5;
	v6 =	vand.u32 $0xFFFFFFC0, v6  }
0x147: {  	v5 =	vor.u32 v5, v6  }
0x148: {  	v6 =	vperm.xlane v5, v0;
	_ =	sdelay $0x1  }
0x149: {  	v6 =	vadd.s32 v3, v6;
	_ =	sdelay $0x4  }
0x14a: {  	[tilespmem:s2], [sflag:$0x1] =	stream.indirect_vreg.gather [hbm4b:s1+s3], $0x80, v6, vm1, $0xb8;
	[tilespmem:$0x18200] =	vst v63  }
0x14b: {  	v5 =	vperm.xlane v5, v4  }
0x14c: {  	[tilespmem:s16], [sflag:$0x1] =	stream.indirect_vreg.gather [hbm4b:s5+s3], $0x80, v6, vm1, $0xb8;
	[tilespmem:$0x18200] =	vst v63  }
0x14d: {  	v5 =	vadd.s32 v3, v5  }
0x14e: {  	[tilespmem:s17], [sflag:$0x1] =	stream.indirect_vreg.gather [hbm4b:s6+s3], $0x80, v6, vm1, $0xb8;
	[tilespmem:$0x18200] =	vst v63  }
0x14f: {  	_ = 	snop  }
0x150: {  	[tilespmem:s19], [sflag:$0x1] =	stream.indirect_vreg.gather [hbm4b:s7+s3], $0x80, v6, vm1, $0xb8;
	[tilespmem:$0x18200] =	vst v63  }
0x151: {  	_ = 	snop  }
0x152: {  	[tilespmem:s20], [sflag:$0x1] =	stream.indirect_vreg.gather [hbm4b:s1+s3], $0x80, v5, vm1, $0xb8;
	[tilespmem:$0x18200] =	vst v63  }
0x153: {  	_ = 	snop  }
0x154: {  	[tilespmem:s29], [sflag:$0x1] =	stream.indirect_vreg.gather [hbm4b:s5+s3], $0x80, v5, vm1, $0xb8;
	[tilespmem:$0x18200] =	vst v63  }
0x155: {  	_ = 	snop  }
0x156: {  	[tilespmem:s30], [sflag:$0x1] =	stream.indirect_vreg.gather [hbm4b:s6+s3], $0x80, v5, vm1, $0xb8;
	[tilespmem:$0x18200] =	vst v63  }
0x157: {  	_ = 	snop  }
0x158: {  	[tilespmem:s31], [sflag:$0x1] =	stream.indirect_vreg.gather [hbm4b:s7+s3], $0x80, v5, vm1, $0xb8;
	[tilespmem:$0x18200] =	vst v63  }
0x159: {  	_ =	swait.ge [sflag:s21], $0x8000  }
0x15a: {  	[sflag:s21] =	ssyncset.done $0x0  }
0x15b: {  	s25 =	rddreg [dreg:$0xa];
	[sflag:s21] =	ssyncadd.s32 $0xFFFF8000  }
0x15c: {  	[hbm4b:s25+s22] =	stream.strided.scatter [tilespmem:s18], [sflag:$0x2], $0x4000, s23, s22, $0x38;
	[tilespmem:$0x18200] =	vst v63  }
0x15d: {  	s0 =	rddreg [dreg:$0xb]  }
0x15e: {  	[hbm4b:s0+s22] =	stream.strided.scatter [tilespmem:s26], [sflag:$0x2], $0x4000, s23, s22, $0x38;
	[tilespmem:$0x18200] =	vst v63  }
0x15f: {  	_ =	swait.ge [sflag:s24], $0x4000  }
0x160: {  	[sflag:s24] =	ssyncset.done $0x0  }
0x161: {  	[sflag:s24] =	ssyncadd.s32 $0xFFFFC000  }
0x162: {  	_ =	swait.ge [sflag:s24], $0x4000  }
0x163: {  	[sflag:s24] =	ssyncset.done $0x0  }
0x164: {  	[sflag:s24] =	ssyncadd.s32 $0xFFFFC000  }
0x165: {  	v5 =	vld [tilespmem:$0x1C0];
	_ =	sdelay $0x4  }
0x166: {  	v6 =	vshll.u32 v5, $0x3  }
0x167: {  	v5 =	vand.u32 $0x7, v5;
	v6 =	vand.u32 $0xFFFFFFC0, v6  }
0x168: {  	v5 =	vor.u32 v5, v6  }
0x169: {  	v6 =	vperm.xlane v5, v0;
	_ =	sdelay $0x1  }
0x16a: {  	v6 =	vadd.s32 v3, v6;
	_ =	sdelay $0x4  }
0x16b: {  	[tilespmem:s18], [sflag:$0x1] =	stream.indirect_vreg.gather [hbm4b:s1+s3], $0x80, v6, vm1, $0xb8;
	[tilespmem:$0x18200] =	vst v63  }
0x16c: {  	s25 =	simm.s32 $0xA00;
	v5 =	vperm.xlane v5, v4  }
0x16d: {  	[tilespmem:s25], [sflag:$0x1] =	stream.indirect_vreg.gather [hbm4b:s5+s3], $0x80, v6, vm1, $0xb8;
	[tilespmem:$0x18200] =	vst v63  }
0x16e: {  	s28 =	simm.s32 $0x1200;
	v5 =	vadd.s32 v3, v5  }
0x16f: {  	[tilespmem:s28], [sflag:$0x1] =	stream.indirect_vreg.gather [hbm4b:s6+s3], $0x80, v6, vm1, $0xb8;
	[tilespmem:$0x18200] =	vst v63  }
0x170: {  	s25 =	simm.s32 $0x1A00  }
0x171: {  	[tilespmem:s25], [sflag:$0x1] =	stream.indirect_vreg.gather [hbm4b:s7+s3], $0x80, v6, vm1, $0xb8;
	[tilespmem:$0x18200] =	vst v63  }
0x172: {  	s28 =	simm.s32 $0x2200  }
0x173: {  	[tilespmem:s28], [sflag:$0x1] =	stream.indirect_vreg.gather [hbm4b:s1+s3], $0x80, v5, vm1, $0xb8;
	[tilespmem:$0x18200] =	vst v63  }
0x174: {  	s25 =	simm.s32 $0x2A00  }
0x175: {  	[tilespmem:s25], [sflag:$0x1] =	stream.indirect_vreg.gather [hbm4b:s5+s3], $0x80, v5, vm1, $0xb8;
	[tilespmem:$0x18200] =	vst v63  }
0x176: {  	s28 =	simm.s32 $0x3200  }
0x177: {  	[tilespmem:s28], [sflag:$0x1] =	stream.indirect_vreg.gather [hbm4b:s6+s3], $0x80, v5, vm1, $0xb8;
	[tilespmem:$0x18200] =	vst v63  }
0x178: {  	s25 =	simm.s32 $0x3A00  }
0x179: {  	[tilespmem:s25], [sflag:$0x1] =	stream.indirect_vreg.gather [hbm4b:s7+s3], $0x80, v5, vm1, $0xb8;
	[tilespmem:$0x18200] =	vst v63  }
0x17a: {  	v5 =	vld [tilespmem:$0x1D0];
	_ =	sdelay $0x4  }
0x17b: {  	v6 =	vshll.u32 v5, $0x3  }
0x17c: {  	v5 =	vand.u32 $0x7, v5;
	v6 =	vand.u32 $0xFFFFFFC0, v6  }
0x17d: {  	v5 =	vor.u32 v5, v6  }
0x17e: {  	v6 =	vperm.xlane v5, v0;
	_ =	sdelay $0x1  }
0x17f: {  	v6 =	vadd.s32 v3, v6;
	_ =	sdelay $0x4  }
0x180: {  	[tilespmem:s26], [sflag:$0x1] =	stream.indirect_vreg.gather [hbm4b:s1+s3], $0x80, v6, vm1, $0xb8;
	[tilespmem:$0x18200] =	vst v63  }
0x181: {  	s28 =	simm.s32 $0x4A00;
	v5 =	vperm.xlane v5, v4  }
0x182: {  	[tilespmem:s28], [sflag:$0x1] =	stream.indirect_vreg.gather [hbm4b:s5+s3], $0x80, v6, vm1, $0xb8;
	[tilespmem:$0x18200] =	vst v63  }
0x183: {  	s25 =	simm.s32 $0x5200;
	v5 =	vadd.s32 v3, v5  }
0x184: {  	[tilespmem:s25], [sflag:$0x1] =	stream.indirect_vreg.gather [hbm4b:s6+s3], $0x80, v6, vm1, $0xb8;
	[tilespmem:$0x18200] =	vst v63  }
0x185: {  	s28 =	simm.s32 $0x5A00  }
0x186: {  	[tilespmem:s28], [sflag:$0x1] =	stream.indirect_vreg.gather [hbm4b:s7+s3], $0x80, v6, vm1, $0xb8;
	[tilespmem:$0x18200] =	vst v63  }
0x187: {  	s25 =	simm.s32 $0x6200  }
0x188: {  	[tilespmem:s25], [sflag:$0x1] =	stream.indirect_vreg.gather [hbm4b:s1+s3], $0x80, v5, vm1, $0xb8;
	[tilespmem:$0x18200] =	vst v63  }
0x189: {  	s28 =	simm.s32 $0x6A00  }
0x18a: {  	[tilespmem:s28], [sflag:$0x1] =	stream.indirect_vreg.gather [hbm4b:s5+s3], $0x80, v5, vm1, $0xb8;
	[tilespmem:$0x18200] =	vst v63  }
0x18b: {  	s25 =	simm.s32 $0x7200  }
0x18c: {  	[tilespmem:s25], [sflag:$0x1] =	stream.indirect_vreg.gather [hbm4b:s6+s3], $0x80, v5, vm1, $0xb8;
	[tilespmem:$0x18200] =	vst v63  }
0x18d: {  	s28 =	simm.s32 $0x7A00  }
0x18e: {  	[tilespmem:s28], [sflag:$0x1] =	stream.indirect_vreg.gather [hbm4b:s7+s3], $0x80, v5, vm1, $0xb8;
	[tilespmem:$0x18200] =	vst v63  }
0x18f: {  	_ =	swait.ge [sflag:s21], $0x8000  }
0x190: {  	[sflag:s21] =	ssyncset.done $0x0  }
0x191: {  	s25 =	rddreg [dreg:$0xc];
	[sflag:s21] =	ssyncadd.s32 $0xFFFF8000  }
0x192: {  	[hbm4b:s25+s22] =	stream.strided.scatter [tilespmem:s9], [sflag:$0x2], $0x4000, s23, s22, $0x38;
	[tilespmem:$0x18200] =	vst v63  }
0x193: {  	s0 =	rddreg [dreg:$0xd]  }
0x194: {  	[hbm4b:s0+s22] =	stream.strided.scatter [tilespmem:s4], [sflag:$0x2], $0x4000, s23, s22, $0x38;
	[tilespmem:$0x18200] =	vst v63  }
0x195: {  	_ =	swait.ge [sflag:s24], $0x4000  }
0x196: {  	[sflag:s24] =	ssyncset.done $0x0  }
0x197: {  	[sflag:s24] =	ssyncadd.s32 $0xFFFFC000  }
0x198: {  	_ =	swait.ge [sflag:s24], $0x4000  }
0x199: {  	[sflag:s24] =	ssyncset.done $0x0  }
0x19a: {  	[sflag:s24] =	ssyncadd.s32 $0xFFFFC000  }
0x19b: {  	v5 =	vld [tilespmem:$0x1E0];
	_ =	sdelay $0x4  }
0x19c: {  	v6 =	vshll.u32 v5, $0x3  }
0x19d: {  	v5 =	vand.u32 $0x7, v5;
	v6 =	vand.u32 $0xFFFFFFC0, v6  }
0x19e: {  	v5 =	vor.u32 v5, v6  }
0x19f: {  	v6 =	vperm.xlane v5, v0;
	_ =	sdelay $0x1  }
0x1a0: {  	v6 =	vadd.s32 v3, v6;
	_ =	sdelay $0x4  }
0x1a1: {  	[tilespmem:s9], [sflag:$0x1] =	stream.indirect_vreg.gather [hbm4b:s1+s3], $0x80, v6, vm1, $0xb8;
	[tilespmem:$0x18200] =	vst v63  }
0x1a2: {  	s25 =	simm.s32 $0x8A00;
	v5 =	vperm.xlane v5, v4  }
0x1a3: {  	[tilespmem:s25], [sflag:$0x1] =	stream.indirect_vreg.gather [hbm4b:s5+s3], $0x80, v6, vm1, $0xb8;
	[tilespmem:$0x18200] =	vst v63  }
0x1a4: {  	s28 =	simm.s32 $0x9200;
	v5 =	vadd.s32 v3, v5  }
0x1a5: {  	[tilespmem:s28], [sflag:$0x1] =	stream.indirect_vreg.gather [hbm4b:s6+s3], $0x80, v6, vm1, $0xb8;
	[tilespmem:$0x18200] =	vst v63  }
0x1a6: {  	s25 =	simm.s32 $0x9A00  }
0x1a7: {  	[tilespmem:s25], [sflag:$0x1] =	stream.indirect_vreg.gather [hbm4b:s7+s3], $0x80, v6, vm1, $0xb8;
	[tilespmem:$0x18200] =	vst v63  }
0x1a8: {  	s28 =	simm.s32 $0xA200  }
0x1a9: {  	[tilespmem:s28], [sflag:$0x1] =	stream.indirect_vreg.gather [hbm4b:s1+s3], $0x80, v5, vm1, $0xb8;
	[tilespmem:$0x18200] =	vst v63  }
0x1aa: {  	s25 =	simm.s32 $0xAA00  }
0x1ab: {  	[tilespmem:s25], [sflag:$0x1] =	stream.indirect_vreg.gather [hbm4b:s5+s3], $0x80, v5, vm1, $0xb8;
	[tilespmem:$0x18200] =	vst v63  }
0x1ac: {  	s28 =	simm.s32 $0xB200  }
0x1ad: {  	[tilespmem:s28], [sflag:$0x1] =	stream.indirect_vreg.gather [hbm4b:s6+s3], $0x80, v5, vm1, $0xb8;
	[tilespmem:$0x18200] =	vst v63  }
0x1ae: {  	s25 =	simm.s32 $0xBA00  }
0x1af: {  	[tilespmem:s25], [sflag:$0x1] =	stream.indirect_vreg.gather [hbm4b:s7+s3], $0x80, v5, vm1, $0xb8;
	[tilespmem:$0x18200] =	vst v63  }
0x1b0: {  	v5 =	vld [tilespmem:$0x1F0];
	_ =	sdelay $0x4  }
0x1b1: {  	v6 =	vshll.u32 v5, $0x3  }
0x1b2: {  	v5 =	vand.u32 $0x7, v5;
	v6 =	vand.u32 $0xFFFFFFC0, v6  }
0x1b3: {  	v5 =	vor.u32 v5, v6  }
0x1b4: {  	v6 =	vperm.xlane v5, v0;
	_ =	sdelay $0x1  }
0x1b5: {  	v6 =	vadd.s32 v3, v6;
	_ =	sdelay $0x4  }
0x1b6: {  	[tilespmem:s4], [sflag:$0x1] =	stream.indirect_vreg.gather [hbm4b:s1+s3], $0x80, v6, vm1, $0xb8;
	[tilespmem:$0x18200] =	vst v63  }
0x1b7: {  	s28 =	simm.s32 $0xCA00;
	v5 =	vperm.xlane v5, v4  }
0x1b8: {  	[tilespmem:s28], [sflag:$0x1] =	stream.indirect_vreg.gather [hbm4b:s5+s3], $0x80, v6, vm1, $0xb8;
	[tilespmem:$0x18200] =	vst v63  }
0x1b9: {  	s25 =	simm.s32 $0xD200;
	v5 =	vadd.s32 v3, v5  }
0x1ba: {  	[tilespmem:s25], [sflag:$0x1] =	stream.indirect_vreg.gather [hbm4b:s6+s3], $0x80, v6, vm1, $0xb8;
	[tilespmem:$0x18200] =	vst v63  }
0x1bb: {  	s28 =	simm.s32 $0xDA00  }
0x1bc: {  	[tilespmem:s28], [sflag:$0x1] =	stream.indirect_vreg.gather [hbm4b:s7+s3], $0x80, v6, vm1, $0xb8;
	[tilespmem:$0x18200] =	vst v63  }
0x1bd: {  	s25 =	simm.s32 $0xE200  }
0x1be: {  	[tilespmem:s25], [sflag:$0x1] =	stream.indirect_vreg.gather [hbm4b:s1+s3], $0x80, v5, vm1, $0xb8;
	[tilespmem:$0x18200] =	vst v63  }
0x1bf: {  	s28 =	simm.s32 $0xEA00  }
0x1c0: {  	[tilespmem:s28], [sflag:$0x1] =	stream.indirect_vreg.gather [hbm4b:s5+s3], $0x80, v5, vm1, $0xb8;
	[tilespmem:$0x18200] =	vst v63  }
0x1c1: {  	s25 =	simm.s32 $0xF200  }
0x1c2: {  	[tilespmem:s25], [sflag:$0x1] =	stream.indirect_vreg.gather [hbm4b:s6+s3], $0x80, v5, vm1, $0xb8;
	[tilespmem:$0x18200] =	vst v63  }
0x1c3: {  	s28 =	simm.s32 $0xFA00  }
0x1c4: {  	[tilespmem:s28], [sflag:$0x1] =	stream.indirect_vreg.gather [hbm4b:s7+s3], $0x80, v5, vm1, $0xb8;
	[tilespmem:$0x18200] =	vst v63  }
0x1c5: {  	_ =	swait.ge [sflag:s21], $0x8000  }
0x1c6: {  	[sflag:s21] =	ssyncset.done $0x0  }
0x1c7: {  	s0 =	simm.s32 $0x10200;
	s25 =	rddreg [dreg:$0xe];
	[sflag:s21] =	ssyncadd.s32 $0xFFFF8000  }
0x1c8: {  	[hbm4b:s25+s22] =	stream.strided.scatter [tilespmem:s0], [sflag:$0x2], $0x4000, s23, s22, $0x38;
	[tilespmem:$0x18200] =	vst v63  }
0x1c9: {  	s28 =	rddreg [dreg:$0xf]  }
0x1ca: {  	[hbm4b:s28+s22] =	stream.strided.scatter [tilespmem:s2], [sflag:$0x2], $0x4000, s23, s22, $0x38;
	[tilespmem:$0x18200] =	vst v63  }
0x1cb: {  	_ =	swait.ge [sflag:s21], $0x8000  }
0x1cc: {  	[sflag:s21] =	ssyncset.done $0x0  }
0x1cd: {  	s0 =	rddreg [dreg:$0x10];
	[sflag:s21] =	ssyncadd.s32 $0xFFFF8000  }
0x1ce: {  	[hbm4b:s0+s22] =	stream.strided.scatter [tilespmem:s18], [sflag:$0x2], $0x4000, s23, s22, $0x38;
	[tilespmem:$0x18200] =	vst v63  }
0x1cf: {  	s2 =	rddreg [dreg:$0x11]  }
0x1d0: {  	[hbm4b:s2+s22] =	stream.strided.scatter [tilespmem:s26], [sflag:$0x2], $0x4000, s23, s22, $0x38;
	[tilespmem:$0x18200] =	vst v63  }
0x1d1: {  	_ =	swait.ge [sflag:s21], $0x8000  }
0x1d2: {  	[sflag:s21] =	ssyncset.done $0x0  }
0x1d3: {  	s0 =	rddreg [dreg:$0x12];
	[sflag:s21] =	ssyncadd.s32 $0xFFFF8000  }
0x1d4: {  	[hbm4b:s0+s22] =	stream.strided.scatter [tilespmem:s9], [sflag:$0x2], $0x4000, s23, s22, $0x38;
	[tilespmem:$0x18200] =	vst v63  }
0x1d5: {  	s2 =	rddreg [dreg:$0x13]  }
0x1d6: {  	[hbm4b:s2+s22] =	stream.strided.scatter [tilespmem:s4], [sflag:$0x2], $0x4000, s23, s22, $0x38;
	[tilespmem:$0x18200] =	vst v63  }
0x1d7: {  	_ =	swait.ge [sflag:s24], $0x4000  }
0x1d8: {  	[sflag:s24] =	ssyncset.done $0x0  }
0x1d9: {  	[sflag:s24] =	ssyncadd.s32 $0xFFFFC000  }
0x1da: {  	_ =	swait.ge [sflag:s24], $0x4000  }
0x1db: {  	[sflag:s24] =	ssyncset.done $0x0  }
0x1dc: {  	[sflag:s24] =	ssyncadd.s32 $0xFFFFC000  }
0x1dd: {  	_ =	swait.ge [sflag:s24], $0x4000  }
0x1de: {  	[sflag:s24] =	ssyncset.done $0x0  }
0x1df: {  	[sflag:s24] =	ssyncadd.s32 $0xFFFFC000  }
0x1e0: {  	_ =	swait.ge [sflag:s24], $0x4000  }
0x1e1: {  	[sflag:s24] =	ssyncset.done $0x0  }
0x1e2: {  	[sflag:s24] =	ssyncadd.s32 $0xFFFFC000  }
0x1e3: {  	p0 =	sne.s32 s8, $0x1;
	_ =	swait.ge [sflag:s24], $0x4000  }
.Ltmp0:
0x1e4: {  	[sflag:s24] =	ssyncset.done $0x0;
	(pc) =	sbr.rel @p0 .LBB2_1-.Ltmp0, $4  }
0x1e5: {  	[sflag:s24] =	ssyncadd.s32 $0xFFFFC000  }
0x1e6: {  	_ =	swait.ge [sflag:s24], $0x4000  }
0x1e7: {  	[sflag:s24] =	ssyncset.done $0x0  }
0x1e8: {  	s8 =	sadd.s32 $0xFFFFFFFF, s8;
	[sflag:s24] =	ssyncadd.s32 $0xFFFFC000  }
0x1e9: {  	_ =	sfence.sel $0x180000  }
0x1ea: {  	[bflag:$0x0] =	sbarrier.arrive $0xFFFF  }
0x1eb: {  	_ =	strace $0x90000047  }
0x1ec: {  	s0 =	stileid.u32;
	[bflag:$0x2] =	sbarrier.arrive $0xFFFF  }
0x1ed: {  	p0 =	sne.s32 s0, $0x0;
	s0 =	rddreg [dreg:$0x3]  }
0x1ee: {  	s0 =	sadd.s32 @!p0 $0x100000, s0  }
0x1ef: {  	[sflag:s0] =	ssyncadd.tile.s32 @!p0 $0x1;
	_ =	shalt  }
.Lfunc_end2:
_tile_overlayer_lowered:
.L_overlay_start_2:
0x1f0: {  	(tag) =	ssettag $0x2  }
0x1f1: {  	s0 =	rddreg [dreg:$0x0];
	s2 =	stileid.u32  }
0x1f2: {  	s1 =	rddreg [dreg:$0x1];
	p0 =	sne.s32 s2, $0x0  }
0x1f3: {  	s3 =	rddreg [dreg:$0x2];
	[bflag:$0x3] =	sbarrier.arrive $0xFFFF;
	s2 =	simm.s32 @!p0 $0x1C03  }
0x1f4: {  	[timem:s3], [sflag:s2] =	dma.local @!p0 [hbm:s0], s1  }
0x1f5: {  	s0 =	simm.s32 @!p0 $0x3  }
0x1f6: {  	_ =	swait.ge @!p0 [sflag:s0], s1  }
0x1f7: {  	s1 =	ssub.s32 @!p0 $0x0, s1;
	[sflag:s0] =	ssyncset.done @!p0 $0x0  }
0x1f8: {  	[sflag:s0] =	ssyncadd.s32 @!p0 s1  }
0x1f9: {  	[bflag:$0x3] =	sbarrier.arrive $0xFFFF  }
0x1fa: {  	_ =	shalt  }

</sc_bundles>
